<compile_context>
chip_gen: v7x
topology: tpu7x:2x2x1
jax: 0.10.2.dev20260603
libtpu: 0.0.44.dev20260713+nightly
codegen_flags: <defaults>
</compile_context>

<pallas_src>
import functools

import jax
import jax.numpy as jnp
from jax import lax
from jax.experimental import pallas as pl
from jax.experimental.pallas import tpu as pltpu
from jax.experimental.pallas import tpu_sc as plsc

NC, NS, L = 2, 16, 16
NW = NC * NS
CHUNK = 128


@functools.partial(jax.jit, static_argnums=(8, 9))
def _glove_sc(cw, tw, co, wt, emb_v, emb_u, vb, ub, B, D):
    n_per_w = B // NW
    n_chunks = n_per_w // CHUNK
    n_groups = n_per_w // L

    mesh = plsc.VectorSubcoreMesh(core_axis_name="c", subcore_axis_name="s")

    @functools.partial(
        pl.kernel,
        out_type=jax.ShapeDtypeStruct((NW, L), jnp.float32),
        mesh=mesh,
        compiler_params=pltpu.CompilerParams(needs_layout_passes=False,
                                             use_tc_tiling_on_sc=False),
        scratch_types=[
            pltpu.VMEM((n_chunks, CHUNK), jnp.int32),
            pltpu.VMEM((n_chunks, CHUNK), jnp.int32),
            pltpu.VMEM((n_per_w, D), jnp.float32),
            pltpu.VMEM((n_per_w, D), jnp.float32),
            pltpu.VMEM((n_per_w,), jnp.float32),
            pltpu.VMEM((n_per_w,), jnp.float32),
            pltpu.VMEM((n_per_w,), jnp.float32),
            pltpu.VMEM((n_per_w,), jnp.float32),
            pltpu.VMEM((L,), jnp.float32),
            pltpu.SemaphoreType.DMA,
        ],
    )
    def glove_kernel(cw_hbm, tw_hbm, co_hbm, wt_hbm, ev_hbm, eu_hbm,
                     vb_hbm, ub_hbm, out_hbm,
                     idxc, idxt, rowsc, rowst, cb, tb, cov, wv,
                     obuf, sem):
        wid = lax.axis_index("c") * NS + lax.axis_index("s")
        base = wid * n_per_w
        crow = wid * n_chunks

        pltpu.sync_copy(cw_hbm.at[pl.ds(crow, n_chunks)], idxc)
        pltpu.sync_copy(tw_hbm.at[pl.ds(crow, n_chunks)], idxt)
        pltpu.sync_copy(co_hbm.at[pl.ds(base, n_per_w)], cov)
        pltpu.sync_copy(wt_hbm.at[pl.ds(base, n_per_w)], wv)

        copies = []
        for j in range(n_chunks):
            dst = pl.ds(j * CHUNK, CHUNK)
            copies.append(pltpu.async_copy(ev_hbm.at[idxc.at[j]],
                                           rowsc.at[dst], sem))
            copies.append(pltpu.async_copy(eu_hbm.at[idxt.at[j]],
                                           rowst.at[dst], sem))
            copies.append(pltpu.async_copy(vb_hbm.at[idxc.at[j]],
                                           cb.at[dst], sem))
            copies.append(pltpu.async_copy(ub_hbm.at[idxt.at[j]],
                                           tb.at[dst], sem))
        for c in copies:
            c.wait()

        lane = lax.iota(jnp.int32, L)

        def group(g, acc):
            ips = jnp.zeros((L,), jnp.float32)
            for i in range(L):
                p = g * L + i
                s = rowsc[p, pl.ds(0, L)] * rowst[p, pl.ds(0, L)]
                for k in range(1, D // L):
                    s = s + (rowsc[p, pl.ds(k * L, L)]
                             * rowst[p, pl.ds(k * L, L)])
                ips = jnp.where(lane == i, jnp.sum(s), ips)
            gsl = pl.ds(g * L, L)
            err = ips + cb[gsl] + tb[gsl] - cov[gsl]
            return acc + wv[gsl] * err * err

        acc = lax.fori_loop(0, n_groups, group, jnp.zeros((L,), jnp.float32))
        obuf[...] = acc
        pltpu.sync_copy(obuf, out_hbm.at[wid])

    return glove_kernel(cw, tw, co, wt, emb_v, emb_u, vb, ub)


def kernel(center_words, target_words, coocs, weighting,
           emb_v, emb_u, v_bias, u_bias):
    B = center_words.shape[0]
    D = emb_v.shape[1]
    cw = center_words.reshape(B // CHUNK, CHUNK).astype(jnp.int32)
    tw = target_words.reshape(B // CHUNK, CHUNK).astype(jnp.int32)
    partials = _glove_sc(cw, tw, coocs.reshape(-1), weighting.reshape(-1),
                         emb_v, emb_u, v_bias.reshape(-1), u_bias.reshape(-1),
                         B, D)
    return jnp.sum(partials)

# --- scband reference (transcript-rebuilt; emitter-appended) ---
"""Pipeline reference for scband-glove-4518305595500 (READ-ONLY COPY).

The authoritative reference and input builder live on the scoring server;
editing this copy changes nothing except your own understanding.
"""

import jax, jax.numpy as jnp
import numpy as np

B, V, D = 16384, 100000, 64

def setup_inputs(seed: int = 0) -> dict:
    key = jax.random.key(seed)
    ks = jax.random.split(key, 8)
    return {
        "center_words": jax.random.randint(ks[0], (B, 1), 0, V),
        "target_words": jax.random.randint(ks[1], (B, 1), 0, V),
        "coocs": jax.random.uniform(ks[2], (B, 1), dtype=jnp.float32),
        "weighting": jax.random.uniform(ks[3], (B, 1), dtype=jnp.float32),
        "emb_v": jax.random.normal(ks[4], (V, D), dtype=jnp.float32) * 0.02,
        "emb_u": jax.random.normal(ks[5], (V, D), dtype=jnp.float32) * 0.02,
        "v_bias": jax.random.normal(ks[6], (V, 1), dtype=jnp.float32) * 0.02,
        "u_bias": jax.random.normal(ks[7], (V, 1), dtype=jnp.float32) * 0.02,
    }

def reference(center_words, target_words, coocs, weighting, emb_v, emb_u, v_bias, u_bias):
    # embedding lookups (gather)
    center_embeds = jnp.take(emb_v, center_words, axis=0)   # [B, 1, D]
    target_embeds = jnp.take(emb_u, target_words, axis=0)   # [B, 1, D]
    center_bias = jnp.take(v_bias, center_words, axis=0).squeeze(1)  # [B, 1]
    target_bias = jnp.take(u_bias, target_words, axis=0).squeeze(1)  # [B, 1]
    # bmm(target, center^T): [B,1,D] @ [B,D,1] -> [B,1,1] -> squeeze(2) -> [B,1]
    inner_product = jnp.matmul(target_embeds, jnp.swapaxes(center_embeds, 1, 2)).squeeze(2)
    loss = weighting * jnp.square(inner_product + center_bias + target_bias - coocs)
    return jnp.sum(loss)

if __name__ == "__main__":
    import jax
    _d = setup_inputs()
    print(jax.jit(kernel)(*tuple(_d.values())))

</pallas_src>

<mosaic_0001>
#map = affine_map<(d0, d1) -> (0, 0)>
#map1 = affine_map<(d0, d1) -> (0)>
module attributes {stable_mosaic.version = 14 : i64} {
  func.func @glove_kernel(%arg0: i32, %arg1: i32, %arg2: memref<128x128xi32, #tpu.memory_space<hbm>>, %arg3: memref<128x128xi32, #tpu.memory_space<hbm>>, %arg4: memref<16384xf32, #tpu.memory_space<hbm>>, %arg5: memref<16384xf32, #tpu.memory_space<hbm>>, %arg6: memref<100000x64xf32, #tpu.memory_space<hbm>>, %arg7: memref<100000x64xf32, #tpu.memory_space<hbm>>, %arg8: memref<100000xf32, #tpu.memory_space<hbm>>, %arg9: memref<100000xf32, #tpu.memory_space<hbm>>, %arg10: memref<32x16xf32, #tpu.memory_space<hbm>>, %arg11: memref<4x128xi32, #tpu.memory_space<vmem>>, %arg12: memref<4x128xi32, #tpu.memory_space<vmem>>, %arg13: memref<512x64xf32, #tpu.memory_space<vmem>>, %arg14: memref<512x64xf32, #tpu.memory_space<vmem>>, %arg15: memref<512xf32, #tpu.memory_space<vmem>>, %arg16: memref<512xf32, #tpu.memory_space<vmem>>, %arg17: memref<512xf32, #tpu.memory_space<vmem>>, %arg18: memref<512xf32, #tpu.memory_space<vmem>>, %arg19: memref<16xf32, #tpu.memory_space<vmem>>, %arg20: memref<!tpu.dma_semaphore, #tpu.memory_space<semaphore_mem>>) attributes {dimension_semantics = [#tpu.dimension_semantics<core_parallel>, #tpu.dimension_semantics<subcore_parallel>], iteration_bounds = array<i64: 2, 16>, scalar_prefetch = 0 : i64, scratch_operands = 10 : i64, tpu.core_type = #tpu.core_type<sc_vector_subcore>, window_params = [{transform_indices = #map}, {transform_indices = #map}, {transform_indices = #map1}, {transform_indices = #map1}, {transform_indices = #map}, {transform_indices = #map}, {transform_indices = #map1}, {transform_indices = #map1}, {transform_indices = #map}]} {
    %mul3A = arith.constant 16 : i32
    %mul3A_0 = arith.muli %arg0, %mul3A : i32
    %add3A = arith.addi %mul3A_0, %arg1 : i32
    %mul3A_1 = arith.constant 512 : i32
    %mul3A_2 = arith.muli %add3A, %mul3A_1 : i32
    %mul3A_3 = arith.constant 4 : i32
    %mul3A_4 = arith.muli %add3A, %mul3A_3 : i32
    "tpu.region"() ({
      %run_scoped3A = tpu.sem_alloc : memref<!tpu.dma_semaphore, #tpu.memory_space<semaphore_mem>>
      %dma_start3A_298 = arith.constant 0 : i32
      %dma_start3A_299 = tpu.memref_slice %arg2[%mul3A_4, %dma_start3A_298] : memref<128x128xi32, #tpu.memory_space<hbm>> -> memref<4x128xi32, #tpu.memory_space<hbm>>
      %dma_start3A_300 = arith.constant 0 : i32
      %dma_start3A_301 = tpu.memref_slice %arg2[%mul3A_4, %dma_start3A_300] : memref<128x128xi32, #tpu.memory_space<hbm>> -> memref<4x128xi32, #tpu.memory_space<hbm>>
      tpu.enqueue_dma source(%dma_start3A_301 : memref<4x128xi32, #tpu.memory_space<hbm>>) target(%arg11 : memref<4x128xi32, #tpu.memory_space<vmem>>) target_semaphore(%run_scoped3A : memref<!tpu.dma_semaphore, #tpu.memory_space<semaphore_mem>>)
      %dma_wait3A_302 = arith.constant 0 : i32
      %dma_wait3A_303 = tpu.memref_slice %arg2[%mul3A_4, %dma_wait3A_302] : memref<128x128xi32, #tpu.memory_space<hbm>> -> memref<4x128xi32, #tpu.memory_space<hbm>>
      %dma_wait3A_304 = arith.constant 0 : i32
      %dma_wait3A_305 = tpu.memref_slice %arg2[%mul3A_4, %dma_wait3A_304] : memref<128x128xi32, #tpu.memory_space<hbm>> -> memref<4x128xi32, #tpu.memory_space<hbm>>
      tpu.wait_dma2 semaphore(%run_scoped3A : memref<!tpu.dma_semaphore, #tpu.memory_space<semaphore_mem>>) src(%dma_wait3A_305 : memref<4x128xi32, #tpu.memory_space<hbm>>) dst(%arg11 : memref<4x128xi32, #tpu.memory_space<vmem>>)
      tpu.yield
    }) : () -> ()
    "tpu.region"() ({
      %run_scoped3A = tpu.sem_alloc : memref<!tpu.dma_semaphore, #tpu.memory_space<semaphore_mem>>
      %dma_start3A_298 = arith.constant 0 : i32
      %dma_start3A_299 = tpu.memref_slice %arg3[%mul3A_4, %dma_start3A_298] : memref<128x128xi32, #tpu.memory_space<hbm>> -> memref<4x128xi32, #tpu.memory_space<hbm>>
      %dma_start3A_300 = arith.constant 0 : i32
      %dma_start3A_301 = tpu.memref_slice %arg3[%mul3A_4, %dma_start3A_300] : memref<128x128xi32, #tpu.memory_space<hbm>> -> memref<4x128xi32, #tpu.memory_space<hbm>>
      tpu.enqueue_dma source(%dma_start3A_301 : memref<4x128xi32, #tpu.memory_space<hbm>>) target(%arg12 : memref<4x128xi32, #tpu.memory_space<vmem>>) target_semaphore(%run_scoped3A : memref<!tpu.dma_semaphore, #tpu.memory_space<semaphore_mem>>)
      %dma_wait3A_302 = arith.constant 0 : i32
      %dma_wait3A_303 = tpu.memref_slice %arg3[%mul3A_4, %dma_wait3A_302] : memref<128x128xi32, #tpu.memory_space<hbm>> -> memref<4x128xi32, #tpu.memory_space<hbm>>
      %dma_wait3A_304 = arith.constant 0 : i32
      %dma_wait3A_305 = tpu.memref_slice %arg3[%mul3A_4, %dma_wait3A_304] : memref<128x128xi32, #tpu.memory_space<hbm>> -> memref<4x128xi32, #tpu.memory_space<hbm>>
      tpu.wait_dma2 semaphore(%run_scoped3A : memref<!tpu.dma_semaphore, #tpu.memory_space<semaphore_mem>>) src(%dma_wait3A_305 : memref<4x128xi32, #tpu.memory_space<hbm>>) dst(%arg12 : memref<4x128xi32, #tpu.memory_space<vmem>>)
      tpu.yield
    }) : () -> ()
    "tpu.region"() ({
      %run_scoped3A = tpu.sem_alloc : memref<!tpu.dma_semaphore, #tpu.memory_space<semaphore_mem>>
      %dma_start3A_298 = tpu.memref_slice %arg4[%mul3A_2] : memref<16384xf32, #tpu.memory_space<hbm>> -> memref<512xf32, #tpu.memory_space<hbm>>
      %dma_start3A_299 = tpu.memref_slice %arg4[%mul3A_2] : memref<16384xf32, #tpu.memory_space<hbm>> -> memref<512xf32, #tpu.memory_space<hbm>>
      tpu.enqueue_dma source(%dma_start3A_299 : memref<512xf32, #tpu.memory_space<hbm>>) target(%arg17 : memref<512xf32, #tpu.memory_space<vmem>>) target_semaphore(%run_scoped3A : memref<!tpu.dma_semaphore, #tpu.memory_space<semaphore_mem>>)
      %dma_wait3A_300 = tpu.memref_slice %arg4[%mul3A_2] : memref<16384xf32, #tpu.memory_space<hbm>> -> memref<512xf32, #tpu.memory_space<hbm>>
      %dma_wait3A_301 = tpu.memref_slice %arg4[%mul3A_2] : memref<16384xf32, #tpu.memory_space<hbm>> -> memref<512xf32, #tpu.memory_space<hbm>>
      tpu.wait_dma2 semaphore(%run_scoped3A : memref<!tpu.dma_semaphore, #tpu.memory_space<semaphore_mem>>) src(%dma_wait3A_301 : memref<512xf32, #tpu.memory_space<hbm>>) dst(%arg17 : memref<512xf32, #tpu.memory_space<vmem>>)
      tpu.yield
    }) : () -> ()
    "tpu.region"() ({
      %run_scoped3A = tpu.sem_alloc : memref<!tpu.dma_semaphore, #tpu.memory_space<semaphore_mem>>
      %dma_start3A_298 = tpu.memref_slice %arg5[%mul3A_2] : memref<16384xf32, #tpu.memory_space<hbm>> -> memref<512xf32, #tpu.memory_space<hbm>>
      %dma_start3A_299 = tpu.memref_slice %arg5[%mul3A_2] : memref<16384xf32, #tpu.memory_space<hbm>> -> memref<512xf32, #tpu.memory_space<hbm>>
      tpu.enqueue_dma source(%dma_start3A_299 : memref<512xf32, #tpu.memory_space<hbm>>) target(%arg18 : memref<512xf32, #tpu.memory_space<vmem>>) target_semaphore(%run_scoped3A : memref<!tpu.dma_semaphore, #tpu.memory_space<semaphore_mem>>)
      %dma_wait3A_300 = tpu.memref_slice %arg5[%mul3A_2] : memref<16384xf32, #tpu.memory_space<hbm>> -> memref<512xf32, #tpu.memory_space<hbm>>
      %dma_wait3A_301 = tpu.memref_slice %arg5[%mul3A_2] : memref<16384xf32, #tpu.memory_space<hbm>> -> memref<512xf32, #tpu.memory_space<hbm>>
      tpu.wait_dma2 semaphore(%run_scoped3A : memref<!tpu.dma_semaphore, #tpu.memory_space<semaphore_mem>>) src(%dma_wait3A_301 : memref<512xf32, #tpu.memory_space<hbm>>) dst(%arg18 : memref<512xf32, #tpu.memory_space<vmem>>)
      tpu.yield
    }) : () -> ()
    %dma_start3A = arith.constant 0 : i32
    %dma_start3A_5 = arith.constant 0 : i32
    %dma_start3A_6 = arith.constant 0 : i32
    %dma_start3A_7 = tpu.memref_slice %arg13[%dma_start3A_5, %dma_start3A_6] : memref<512x64xf32, #tpu.memory_space<vmem>> -> memref<128x64xf32, #tpu.memory_space<vmem>>
    %dma_start3A_8 = arith.constant 0 : i32
    %dma_start3A_9 = tpu.memref_slice %arg11[%dma_start3A, %dma_start3A_8] : memref<4x128xi32, #tpu.memory_space<vmem>> -> memref<1x128xi32, #tpu.memory_space<vmem>>
    %dma_start3A_10 = tpu.memref_squeeze %dma_start3A_9 : memref<1x128xi32, #tpu.memory_space<vmem>> -> memref<128xi32, #tpu.memory_space<vmem>>
    %dma_start3A_11 = arith.constant 0 : i32
    %dma_start3A_12 = arith.constant 0 : i32
    %dma_start3A_13 = tpu.memref_slice %arg6[%dma_start3A_11, %dma_start3A_12] : memref<100000x64xf32, #tpu.memory_space<hbm>> -> memref<100000x64xf32, #tpu.memory_space<hbm>>
    tpu.enqueue_indirect_dma source(%dma_start3A_13 : memref<100000x64xf32, #tpu.memory_space<hbm>>) target(%dma_start3A_7 : memref<128x64xf32, #tpu.memory_space<vmem>>) offsets(%dma_start3A_10 : memref<128xi32, #tpu.memory_space<vmem>>) semaphore(%arg20 : memref<!tpu.dma_semaphore, #tpu.memory_space<semaphore_mem>>)
    %dma_start3A_14 = arith.constant 0 : i32
    %dma_start3A_15 = arith.constant 0 : i32
    %dma_start3A_16 = arith.constant 0 : i32
    %dma_start3A_17 = tpu.memref_slice %arg14[%dma_start3A_15, %dma_start3A_16] : memref<512x64xf32, #tpu.memory_space<vmem>> -> memref<128x64xf32, #tpu.memory_space<vmem>>
    %dma_start3A_18 = arith.constant 0 : i32
    %dma_start3A_19 = tpu.memref_slice %arg12[%dma_start3A_14, %dma_start3A_18] : memref<4x128xi32, #tpu.memory_space<vmem>> -> memref<1x128xi32, #tpu.memory_space<vmem>>
    %dma_start3A_20 = tpu.memref_squeeze %dma_start3A_19 : memref<1x128xi32, #tpu.memory_space<vmem>> -> memref<128xi32, #tpu.memory_space<vmem>>
    %dma_start3A_21 = arith.constant 0 : i32
    %dma_start3A_22 = arith.constant 0 : i32
    %dma_start3A_23 = tpu.memref_slice %arg7[%dma_start3A_21, %dma_start3A_22] : memref<100000x64xf32, #tpu.memory_space<hbm>> -> memref<100000x64xf32, #tpu.memory_space<hbm>>
    tpu.enqueue_indirect_dma source(%dma_start3A_23 : memref<100000x64xf32, #tpu.memory_space<hbm>>) target(%dma_start3A_17 : memref<128x64xf32, #tpu.memory_space<vmem>>) offsets(%dma_start3A_20 : memref<128xi32, #tpu.memory_space<vmem>>) semaphore(%arg20 : memref<!tpu.dma_semaphore, #tpu.memory_space<semaphore_mem>>)
    %dma_start3A_24 = arith.constant 0 : i32
    %dma_start3A_25 = arith.constant 0 : i32
    %dma_start3A_26 = tpu.memref_slice %arg15[%dma_start3A_25] : memref<512xf32, #tpu.memory_space<vmem>> -> memref<128xf32, #tpu.memory_space<vmem>>
    %dma_start3A_27 = arith.constant 0 : i32
    %dma_start3A_28 = tpu.memref_slice %arg11[%dma_start3A_24, %dma_start3A_27] : memref<4x128xi32, #tpu.memory_space<vmem>> -> memref<1x128xi32, #tpu.memory_space<vmem>>
    %dma_start3A_29 = tpu.memref_squeeze %dma_start3A_28 : memref<1x128xi32, #tpu.memory_space<vmem>> -> memref<128xi32, #tpu.memory_space<vmem>>
    %dma_start3A_30 = arith.constant 0 : i32
    %dma_start3A_31 = tpu.memref_slice %arg8[%dma_start3A_30] : memref<100000xf32, #tpu.memory_space<hbm>> -> memref<100000xf32, #tpu.memory_space<hbm>>
    tpu.enqueue_indirect_dma source(%dma_start3A_31 : memref<100000xf32, #tpu.memory_space<hbm>>) target(%dma_start3A_26 : memref<128xf32, #tpu.memory_space<vmem>>) offsets(%dma_start3A_29 : memref<128xi32, #tpu.memory_space<vmem>>) semaphore(%arg20 : memref<!tpu.dma_semaphore, #tpu.memory_space<semaphore_mem>>)
    %dma_start3A_32 = arith.constant 0 : i32
    %dma_start3A_33 = arith.constant 0 : i32
    %dma_start3A_34 = tpu.memref_slice %arg16[%dma_start3A_33] : memref<512xf32, #tpu.memory_space<vmem>> -> memref<128xf32, #tpu.memory_space<vmem>>
    %dma_start3A_35 = arith.constant 0 : i32
    %dma_start3A_36 = tpu.memref_slice %arg12[%dma_start3A_32, %dma_start3A_35] : memref<4x128xi32, #tpu.memory_space<vmem>> -> memref<1x128xi32, #tpu.memory_space<vmem>>
    %dma_start3A_37 = tpu.memref_squeeze %dma_start3A_36 : memref<1x128xi32, #tpu.memory_space<vmem>> -> memref<128xi32, #tpu.memory_space<vmem>>
    %dma_start3A_38 = arith.constant 0 : i32
    %dma_start3A_39 = tpu.memref_slice %arg9[%dma_start3A_38] : memref<100000xf32, #tpu.memory_space<hbm>> -> memref<100000xf32, #tpu.memory_space<hbm>>
    tpu.enqueue_indirect_dma source(%dma_start3A_39 : memref<100000xf32, #tpu.memory_space<hbm>>) target(%dma_start3A_34 : memref<128xf32, #tpu.memory_space<vmem>>) offsets(%dma_start3A_37 : memref<128xi32, #tpu.memory_space<vmem>>) semaphore(%arg20 : memref<!tpu.dma_semaphore, #tpu.memory_space<semaphore_mem>>)
    %dma_start3A_40 = arith.constant 1 : i32
    %dma_start3A_41 = arith.constant 128 : i32
    %dma_start3A_42 = arith.constant 0 : i32
    %dma_start3A_43 = tpu.memref_slice %arg13[%dma_start3A_41, %dma_start3A_42] : memref<512x64xf32, #tpu.memory_space<vmem>> -> memref<128x64xf32, #tpu.memory_space<vmem>>
    %dma_start3A_44 = arith.constant 0 : i32
    %dma_start3A_45 = tpu.memref_slice %arg11[%dma_start3A_40, %dma_start3A_44] : memref<4x128xi32, #tpu.memory_space<vmem>> -> memref<1x128xi32, #tpu.memory_space<vmem>>
    %dma_start3A_46 = tpu.memref_squeeze %dma_start3A_45 : memref<1x128xi32, #tpu.memory_space<vmem>> -> memref<128xi32, #tpu.memory_space<vmem>>
    %dma_start3A_47 = arith.constant 0 : i32
    %dma_start3A_48 = arith.constant 0 : i32
    %dma_start3A_49 = tpu.memref_slice %arg6[%dma_start3A_47, %dma_start3A_48] : memref<100000x64xf32, #tpu.memory_space<hbm>> -> memref<100000x64xf32, #tpu.memory_space<hbm>>
    tpu.enqueue_indirect_dma source(%dma_start3A_49 : memref<100000x64xf32, #tpu.memory_space<hbm>>) target(%dma_start3A_43 : memref<128x64xf32, #tpu.memory_space<vmem>>) offsets(%dma_start3A_46 : memref<128xi32, #tpu.memory_space<vmem>>) semaphore(%arg20 : memref<!tpu.dma_semaphore, #tpu.memory_space<semaphore_mem>>)
    %dma_start3A_50 = arith.constant 1 : i32
    %dma_start3A_51 = arith.constant 128 : i32
    %dma_start3A_52 = arith.constant 0 : i32
    %dma_start3A_53 = tpu.memref_slice %arg14[%dma_start3A_51, %dma_start3A_52] : memref<512x64xf32, #tpu.memory_space<vmem>> -> memref<128x64xf32, #tpu.memory_space<vmem>>
    %dma_start3A_54 = arith.constant 0 : i32
    %dma_start3A_55 = tpu.memref_slice %arg12[%dma_start3A_50, %dma_start3A_54] : memref<4x128xi32, #tpu.memory_space<vmem>> -> memref<1x128xi32, #tpu.memory_space<vmem>>
    %dma_start3A_56 = tpu.memref_squeeze %dma_start3A_55 : memref<1x128xi32, #tpu.memory_space<vmem>> -> memref<128xi32, #tpu.memory_space<vmem>>
    %dma_start3A_57 = arith.constant 0 : i32
    %dma_start3A_58 = arith.constant 0 : i32
    %dma_start3A_59 = tpu.memref_slice %arg7[%dma_start3A_57, %dma_start3A_58] : memref<100000x64xf32, #tpu.memory_space<hbm>> -> memref<100000x64xf32, #tpu.memory_space<hbm>>
    tpu.enqueue_indirect_dma source(%dma_start3A_59 : memref<100000x64xf32, #tpu.memory_space<hbm>>) target(%dma_start3A_53 : memref<128x64xf32, #tpu.memory_space<vmem>>) offsets(%dma_start3A_56 : memref<128xi32, #tpu.memory_space<vmem>>) semaphore(%arg20 : memref<!tpu.dma_semaphore, #tpu.memory_space<semaphore_mem>>)
    %dma_start3A_60 = arith.constant 1 : i32
    %dma_start3A_61 = arith.constant 128 : i32
    %dma_start3A_62 = tpu.memref_slice %arg15[%dma_start3A_61] : memref<512xf32, #tpu.memory_space<vmem>> -> memref<128xf32, #tpu.memory_space<vmem>>
    %dma_start3A_63 = arith.constant 0 : i32
    %dma_start3A_64 = tpu.memref_slice %arg11[%dma_start3A_60, %dma_start3A_63] : memref<4x128xi32, #tpu.memory_space<vmem>> -> memref<1x128xi32, #tpu.memory_space<vmem>>
    %dma_start3A_65 = tpu.memref_squeeze %dma_start3A_64 : memref<1x128xi32, #tpu.memory_space<vmem>> -> memref<128xi32, #tpu.memory_space<vmem>>
    %dma_start3A_66 = arith.constant 0 : i32
    %dma_start3A_67 = tpu.memref_slice %arg8[%dma_start3A_66] : memref<100000xf32, #tpu.memory_space<hbm>> -> memref<100000xf32, #tpu.memory_space<hbm>>
    tpu.enqueue_indirect_dma source(%dma_start3A_67 : memref<100000xf32, #tpu.memory_space<hbm>>) target(%dma_start3A_62 : memref<128xf32, #tpu.memory_space<vmem>>) offsets(%dma_start3A_65 : memref<128xi32, #tpu.memory_space<vmem>>) semaphore(%arg20 : memref<!tpu.dma_semaphore, #tpu.memory_space<semaphore_mem>>)
    %dma_start3A_68 = arith.constant 1 : i32
    %dma_start3A_69 = arith.constant 128 : i32
    %dma_start3A_70 = tpu.memref_slice %arg16[%dma_start3A_69] : memref<512xf32, #tpu.memory_space<vmem>> -> memref<128xf32, #tpu.memory_space<vmem>>
    %dma_start3A_71 = arith.constant 0 : i32
    %dma_start3A_72 = tpu.memref_slice %arg12[%dma_start3A_68, %dma_start3A_71] : memref<4x128xi32, #tpu.memory_space<vmem>> -> memref<1x128xi32, #tpu.memory_space<vmem>>
    %dma_start3A_73 = tpu.memref_squeeze %dma_start3A_72 : memref<1x128xi32, #tpu.memory_space<vmem>> -> memref<128xi32, #tpu.memory_space<vmem>>
    %dma_start3A_74 = arith.constant 0 : i32
    %dma_start3A_75 = tpu.memref_slice %arg9[%dma_start3A_74] : memref<100000xf32, #tpu.memory_space<hbm>> -> memref<100000xf32, #tpu.memory_space<hbm>>
    tpu.enqueue_indirect_dma source(%dma_start3A_75 : memref<100000xf32, #tpu.memory_space<hbm>>) target(%dma_start3A_70 : memref<128xf32, #tpu.memory_space<vmem>>) offsets(%dma_start3A_73 : memref<128xi32, #tpu.memory_space<vmem>>) semaphore(%arg20 : memref<!tpu.dma_semaphore, #tpu.memory_space<semaphore_mem>>)
    %dma_start3A_76 = arith.constant 2 : i32
    %dma_start3A_77 = arith.constant 256 : i32
    %dma_start3A_78 = arith.constant 0 : i32
    %dma_start3A_79 = tpu.memref_slice %arg13[%dma_start3A_77, %dma_start3A_78] : memref<512x64xf32, #tpu.memory_space<vmem>> -> memref<128x64xf32, #tpu.memory_space<vmem>>
    %dma_start3A_80 = arith.constant 0 : i32
    %dma_start3A_81 = tpu.memref_slice %arg11[%dma_start3A_76, %dma_start3A_80] : memref<4x128xi32, #tpu.memory_space<vmem>> -> memref<1x128xi32, #tpu.memory_space<vmem>>
    %dma_start3A_82 = tpu.memref_squeeze %dma_start3A_81 : memref<1x128xi32, #tpu.memory_space<vmem>> -> memref<128xi32, #tpu.memory_space<vmem>>
    %dma_start3A_83 = arith.constant 0 : i32
    %dma_start3A_84 = arith.constant 0 : i32
    %dma_start3A_85 = tpu.memref_slice %arg6[%dma_start3A_83, %dma_start3A_84] : memref<100000x64xf32, #tpu.memory_space<hbm>> -> memref<100000x64xf32, #tpu.memory_space<hbm>>
    tpu.enqueue_indirect_dma source(%dma_start3A_85 : memref<100000x64xf32, #tpu.memory_space<hbm>>) target(%dma_start3A_79 : memref<128x64xf32, #tpu.memory_space<vmem>>) offsets(%dma_start3A_82 : memref<128xi32, #tpu.memory_space<vmem>>) semaphore(%arg20 : memref<!tpu.dma_semaphore, #tpu.memory_space<semaphore_mem>>)
    %dma_start3A_86 = arith.constant 2 : i32
    %dma_start3A_87 = arith.constant 256 : i32
    %dma_start3A_88 = arith.constant 0 : i32
    %dma_start3A_89 = tpu.memref_slice %arg14[%dma_start3A_87, %dma_start3A_88] : memref<512x64xf32, #tpu.memory_space<vmem>> -> memref<128x64xf32, #tpu.memory_space<vmem>>
    %dma_start3A_90 = arith.constant 0 : i32
    %dma_start3A_91 = tpu.memref_slice %arg12[%dma_start3A_86, %dma_start3A_90] : memref<4x128xi32, #tpu.memory_space<vmem>> -> memref<1x128xi32, #tpu.memory_space<vmem>>
    %dma_start3A_92 = tpu.memref_squeeze %dma_start3A_91 : memref<1x128xi32, #tpu.memory_space<vmem>> -> memref<128xi32, #tpu.memory_space<vmem>>
    %dma_start3A_93 = arith.constant 0 : i32
    %dma_start3A_94 = arith.constant 0 : i32
    %dma_start3A_95 = tpu.memref_slice %arg7[%dma_start3A_93, %dma_start3A_94] : memref<100000x64xf32, #tpu.memory_space<hbm>> -> memref<100000x64xf32, #tpu.memory_space<hbm>>
    tpu.enqueue_indirect_dma source(%dma_start3A_95 : memref<100000x64xf32, #tpu.memory_space<hbm>>) target(%dma_start3A_89 : memref<128x64xf32, #tpu.memory_space<vmem>>) offsets(%dma_start3A_92 : memref<128xi32, #tpu.memory_space<vmem>>) semaphore(%arg20 : memref<!tpu.dma_semaphore, #tpu.memory_space<semaphore_mem>>)
    %dma_start3A_96 = arith.constant 2 : i32
    %dma_start3A_97 = arith.constant 256 : i32
    %dma_start3A_98 = tpu.memref_slice %arg15[%dma_start3A_97] : memref<512xf32, #tpu.memory_space<vmem>> -> memref<128xf32, #tpu.memory_space<vmem>>
    %dma_start3A_99 = arith.constant 0 : i32
    %dma_start3A_100 = tpu.memref_slice %arg11[%dma_start3A_96, %dma_start3A_99] : memref<4x128xi32, #tpu.memory_space<vmem>> -> memref<1x128xi32, #tpu.memory_space<vmem>>
    %dma_start3A_101 = tpu.memref_squeeze %dma_start3A_100 : memref<1x128xi32, #tpu.memory_space<vmem>> -> memref<128xi32, #tpu.memory_space<vmem>>
    %dma_start3A_102 = arith.constant 0 : i32
    %dma_start3A_103 = tpu.memref_slice %arg8[%dma_start3A_102] : memref<100000xf32, #tpu.memory_space<hbm>> -> memref<100000xf32, #tpu.memory_space<hbm>>
    tpu.enqueue_indirect_dma source(%dma_start3A_103 : memref<100000xf32, #tpu.memory_space<hbm>>) target(%dma_start3A_98 : memref<128xf32, #tpu.memory_space<vmem>>) offsets(%dma_start3A_101 : memref<128xi32, #tpu.memory_space<vmem>>) semaphore(%arg20 : memref<!tpu.dma_semaphore, #tpu.memory_space<semaphore_mem>>)
    %dma_start3A_104 = arith.constant 2 : i32
    %dma_start3A_105 = arith.constant 256 : i32
    %dma_start3A_106 = tpu.memref_slice %arg16[%dma_start3A_105] : memref<512xf32, #tpu.memory_space<vmem>> -> memref<128xf32, #tpu.memory_space<vmem>>
    %dma_start3A_107 = arith.constant 0 : i32
    %dma_start3A_108 = tpu.memref_slice %arg12[%dma_start3A_104, %dma_start3A_107] : memref<4x128xi32, #tpu.memory_space<vmem>> -> memref<1x128xi32, #tpu.memory_space<vmem>>
    %dma_start3A_109 = tpu.memref_squeeze %dma_start3A_108 : memref<1x128xi32, #tpu.memory_space<vmem>> -> memref<128xi32, #tpu.memory_space<vmem>>
    %dma_start3A_110 = arith.constant 0 : i32
    %dma_start3A_111 = tpu.memref_slice %arg9[%dma_start3A_110] : memref<100000xf32, #tpu.memory_space<hbm>> -> memref<100000xf32, #tpu.memory_space<hbm>>
    tpu.enqueue_indirect_dma source(%dma_start3A_111 : memref<100000xf32, #tpu.memory_space<hbm>>) target(%dma_start3A_106 : memref<128xf32, #tpu.memory_space<vmem>>) offsets(%dma_start3A_109 : memref<128xi32, #tpu.memory_space<vmem>>) semaphore(%arg20 : memref<!tpu.dma_semaphore, #tpu.memory_space<semaphore_mem>>)
    %dma_start3A_112 = arith.constant 3 : i32
    %dma_start3A_113 = arith.constant 384 : i32
    %dma_start3A_114 = arith.constant 0 : i32
    %dma_start3A_115 = tpu.memref_slice %arg13[%dma_start3A_113, %dma_start3A_114] : memref<512x64xf32, #tpu.memory_space<vmem>> -> memref<128x64xf32, #tpu.memory_space<vmem>>
    %dma_start3A_116 = arith.constant 0 : i32
    %dma_start3A_117 = tpu.memref_slice %arg11[%dma_start3A_112, %dma_start3A_116] : memref<4x128xi32, #tpu.memory_space<vmem>> -> memref<1x128xi32, #tpu.memory_space<vmem>>
    %dma_start3A_118 = tpu.memref_squeeze %dma_start3A_117 : memref<1x128xi32, #tpu.memory_space<vmem>> -> memref<128xi32, #tpu.memory_space<vmem>>
    %dma_start3A_119 = arith.constant 0 : i32
    %dma_start3A_120 = arith.constant 0 : i32
    %dma_start3A_121 = tpu.memref_slice %arg6[%dma_start3A_119, %dma_start3A_120] : memref<100000x64xf32, #tpu.memory_space<hbm>> -> memref<100000x64xf32, #tpu.memory_space<hbm>>
    tpu.enqueue_indirect_dma source(%dma_start3A_121 : memref<100000x64xf32, #tpu.memory_space<hbm>>) target(%dma_start3A_115 : memref<128x64xf32, #tpu.memory_space<vmem>>) offsets(%dma_start3A_118 : memref<128xi32, #tpu.memory_space<vmem>>) semaphore(%arg20 : memref<!tpu.dma_semaphore, #tpu.memory_space<semaphore_mem>>)
    %dma_start3A_122 = arith.constant 3 : i32
    %dma_start3A_123 = arith.constant 384 : i32
    %dma_start3A_124 = arith.constant 0 : i32
    %dma_start3A_125 = tpu.memref_slice %arg14[%dma_start3A_123, %dma_start3A_124] : memref<512x64xf32, #tpu.memory_space<vmem>> -> memref<128x64xf32, #tpu.memory_space<vmem>>
    %dma_start3A_126 = arith.constant 0 : i32
    %dma_start3A_127 = tpu.memref_slice %arg12[%dma_start3A_122, %dma_start3A_126] : memref<4x128xi32, #tpu.memory_space<vmem>> -> memref<1x128xi32, #tpu.memory_space<vmem>>
    %dma_start3A_128 = tpu.memref_squeeze %dma_start3A_127 : memref<1x128xi32, #tpu.memory_space<vmem>> -> memref<128xi32, #tpu.memory_space<vmem>>
    %dma_start3A_129 = arith.constant 0 : i32
    %dma_start3A_130 = arith.constant 0 : i32
    %dma_start3A_131 = tpu.memref_slice %arg7[%dma_start3A_129, %dma_start3A_130] : memref<100000x64xf32, #tpu.memory_space<hbm>> -> memref<100000x64xf32, #tpu.memory_space<hbm>>
    tpu.enqueue_indirect_dma source(%dma_start3A_131 : memref<100000x64xf32, #tpu.memory_space<hbm>>) target(%dma_start3A_125 : memref<128x64xf32, #tpu.memory_space<vmem>>) offsets(%dma_start3A_128 : memref<128xi32, #tpu.memory_space<vmem>>) semaphore(%arg20 : memref<!tpu.dma_semaphore, #tpu.memory_space<semaphore_mem>>)
    %dma_start3A_132 = arith.constant 3 : i32
    %dma_start3A_133 = arith.constant 384 : i32
    %dma_start3A_134 = tpu.memref_slice %arg15[%dma_start3A_133] : memref<512xf32, #tpu.memory_space<vmem>> -> memref<128xf32, #tpu.memory_space<vmem>>
    %dma_start3A_135 = arith.constant 0 : i32
    %dma_start3A_136 = tpu.memref_slice %arg11[%dma_start3A_132, %dma_start3A_135] : memref<4x128xi32, #tpu.memory_space<vmem>> -> memref<1x128xi32, #tpu.memory_space<vmem>>
    %dma_start3A_137 = tpu.memref_squeeze %dma_start3A_136 : memref<1x128xi32, #tpu.memory_space<vmem>> -> memref<128xi32, #tpu.memory_space<vmem>>
    %dma_start3A_138 = arith.constant 0 : i32
    %dma_start3A_139 = tpu.memref_slice %arg8[%dma_start3A_138] : memref<100000xf32, #tpu.memory_space<hbm>> -> memref<100000xf32, #tpu.memory_space<hbm>>
    tpu.enqueue_indirect_dma source(%dma_start3A_139 : memref<100000xf32, #tpu.memory_space<hbm>>) target(%dma_start3A_134 : memref<128xf32, #tpu.memory_space<vmem>>) offsets(%dma_start3A_137 : memref<128xi32, #tpu.memory_space<vmem>>) semaphore(%arg20 : memref<!tpu.dma_semaphore, #tpu.memory_space<semaphore_mem>>)
    %dma_start3A_140 = arith.constant 3 : i32
    %dma_start3A_141 = arith.constant 384 : i32
    %dma_start3A_142 = tpu.memref_slice %arg16[%dma_start3A_141] : memref<512xf32, #tpu.memory_space<vmem>> -> memref<128xf32, #tpu.memory_space<vmem>>
    %dma_start3A_143 = arith.constant 0 : i32
    %dma_start3A_144 = tpu.memref_slice %arg12[%dma_start3A_140, %dma_start3A_143] : memref<4x128xi32, #tpu.memory_space<vmem>> -> memref<1x128xi32, #tpu.memory_space<vmem>>
    %dma_start3A_145 = tpu.memref_squeeze %dma_start3A_144 : memref<1x128xi32, #tpu.memory_space<vmem>> -> memref<128xi32, #tpu.memory_space<vmem>>
    %dma_start3A_146 = arith.constant 0 : i32
    %dma_start3A_147 = tpu.memref_slice %arg9[%dma_start3A_146] : memref<100000xf32, #tpu.memory_space<hbm>> -> memref<100000xf32, #tpu.memory_space<hbm>>
    tpu.enqueue_indirect_dma source(%dma_start3A_147 : memref<100000xf32, #tpu.memory_space<hbm>>) target(%dma_start3A_142 : memref<128xf32, #tpu.memory_space<vmem>>) offsets(%dma_start3A_145 : memref<128xi32, #tpu.memory_space<vmem>>) semaphore(%arg20 : memref<!tpu.dma_semaphore, #tpu.memory_space<semaphore_mem>>)
    %dma_wait3A = arith.constant 0 : i32
    %dma_wait3A_148 = arith.constant 0 : i32
    %dma_wait3A_149 = arith.constant 0 : i32
    %dma_wait3A_150 = tpu.memref_slice %arg13[%dma_wait3A_148, %dma_wait3A_149] : memref<512x64xf32, #tpu.memory_space<vmem>> -> memref<128x64xf32, #tpu.memory_space<vmem>>
    %dma_wait3A_151 = arith.constant 0 : i32
    %dma_wait3A_152 = tpu.memref_slice %arg11[%dma_wait3A, %dma_wait3A_151] : memref<4x128xi32, #tpu.memory_space<vmem>> -> memref<1x128xi32, #tpu.memory_space<vmem>>
    %dma_wait3A_153 = tpu.memref_squeeze %dma_wait3A_152 : memref<1x128xi32, #tpu.memory_space<vmem>> -> memref<128xi32, #tpu.memory_space<vmem>>
    %dma_wait3A_154 = arith.constant 0 : i32
    %dma_wait3A_155 = arith.constant 0 : i32
    %dma_wait3A_156 = tpu.memref_slice %arg6[%dma_wait3A_154, %dma_wait3A_155] : memref<100000x64xf32, #tpu.memory_space<hbm>> -> memref<100000x64xf32, #tpu.memory_space<hbm>>
    tpu.wait_indirect_dma semaphore(%arg20 : memref<!tpu.dma_semaphore, #tpu.memory_space<semaphore_mem>>) src(%dma_wait3A_156 : memref<100000x64xf32, #tpu.memory_space<hbm>>) dst(%dma_wait3A_150 : memref<128x64xf32, #tpu.memory_space<vmem>>)
    %dma_wait3A_157 = arith.constant 0 : i32
    %dma_wait3A_158 = arith.constant 0 : i32
    %dma_wait3A_159 = arith.constant 0 : i32
    %dma_wait3A_160 = tpu.memref_slice %arg14[%dma_wait3A_158, %dma_wait3A_159] : memref<512x64xf32, #tpu.memory_space<vmem>> -> memref<128x64xf32, #tpu.memory_space<vmem>>
    %dma_wait3A_161 = arith.constant 0 : i32
    %dma_wait3A_162 = tpu.memref_slice %arg12[%dma_wait3A_157, %dma_wait3A_161] : memref<4x128xi32, #tpu.memory_space<vmem>> -> memref<1x128xi32, #tpu.memory_space<vmem>>
    %dma_wait3A_163 = tpu.memref_squeeze %dma_wait3A_162 : memref<1x128xi32, #tpu.memory_space<vmem>> -> memref<128xi32, #tpu.memory_space<vmem>>
    %dma_wait3A_164 = arith.constant 0 : i32
    %dma_wait3A_165 = arith.constant 0 : i32
    %dma_wait3A_166 = tpu.memref_slice %arg7[%dma_wait3A_164, %dma_wait3A_165] : memref<100000x64xf32, #tpu.memory_space<hbm>> -> memref<100000x64xf32, #tpu.memory_space<hbm>>
    tpu.wait_indirect_dma semaphore(%arg20 : memref<!tpu.dma_semaphore, #tpu.memory_space<semaphore_mem>>) src(%dma_wait3A_166 : memref<100000x64xf32, #tpu.memory_space<hbm>>) dst(%dma_wait3A_160 : memref<128x64xf32, #tpu.memory_space<vmem>>)
    %dma_wait3A_167 = arith.constant 0 : i32
    %dma_wait3A_168 = arith.constant 0 : i32
    %dma_wait3A_169 = tpu.memref_slice %arg15[%dma_wait3A_168] : memref<512xf32, #tpu.memory_space<vmem>> -> memref<128xf32, #tpu.memory_space<vmem>>
    %dma_wait3A_170 = arith.constant 0 : i32
    %dma_wait3A_171 = tpu.memref_slice %arg11[%dma_wait3A_167, %dma_wait3A_170] : memref<4x128xi32, #tpu.memory_space<vmem>> -> memref<1x128xi32, #tpu.memory_space<vmem>>
    %dma_wait3A_172 = tpu.memref_squeeze %dma_wait3A_171 : memref<1x128xi32, #tpu.memory_space<vmem>> -> memref<128xi32, #tpu.memory_space<vmem>>
    %dma_wait3A_173 = arith.constant 0 : i32
    %dma_wait3A_174 = tpu.memref_slice %arg8[%dma_wait3A_173] : memref<100000xf32, #tpu.memory_space<hbm>> -> memref<100000xf32, #tpu.memory_space<hbm>>
    tpu.wait_indirect_dma semaphore(%arg20 : memref<!tpu.dma_semaphore, #tpu.memory_space<semaphore_mem>>) src(%dma_wait3A_174 : memref<100000xf32, #tpu.memory_space<hbm>>) dst(%dma_wait3A_169 : memref<128xf32, #tpu.memory_space<vmem>>)
    %dma_wait3A_175 = arith.constant 0 : i32
    %dma_wait3A_176 = arith.constant 0 : i32
    %dma_wait3A_177 = tpu.memref_slice %arg16[%dma_wait3A_176] : memref<512xf32, #tpu.memory_space<vmem>> -> memref<128xf32, #tpu.memory_space<vmem>>
    %dma_wait3A_178 = arith.constant 0 : i32
    %dma_wait3A_179 = tpu.memref_slice %arg12[%dma_wait3A_175, %dma_wait3A_178] : memref<4x128xi32, #tpu.memory_space<vmem>> -> memref<1x128xi32, #tpu.memory_space<vmem>>
    %dma_wait3A_180 = tpu.memref_squeeze %dma_wait3A_179 : memref<1x128xi32, #tpu.memory_space<vmem>> -> memref<128xi32, #tpu.memory_space<vmem>>
    %dma_wait3A_181 = arith.constant 0 : i32
    %dma_wait3A_182 = tpu.memref_slice %arg9[%dma_wait3A_181] : memref<100000xf32, #tpu.memory_space<hbm>> -> memref<100000xf32, #tpu.memory_space<hbm>>
    tpu.wait_indirect_dma semaphore(%arg20 : memref<!tpu.dma_semaphore, #tpu.memory_space<semaphore_mem>>) src(%dma_wait3A_182 : memref<100000xf32, #tpu.memory_space<hbm>>) dst(%dma_wait3A_177 : memref<128xf32, #tpu.memory_space<vmem>>)
    %dma_wait3A_183 = arith.constant 1 : i32
    %dma_wait3A_184 = arith.constant 128 : i32
    %dma_wait3A_185 = arith.constant 0 : i32
    %dma_wait3A_186 = tpu.memref_slice %arg13[%dma_wait3A_184, %dma_wait3A_185] : memref<512x64xf32, #tpu.memory_space<vmem>> -> memref<128x64xf32, #tpu.memory_space<vmem>>
    %dma_wait3A_187 = arith.constant 0 : i32
    %dma_wait3A_188 = tpu.memref_slice %arg11[%dma_wait3A_183, %dma_wait3A_187] : memref<4x128xi32, #tpu.memory_space<vmem>> -> memref<1x128xi32, #tpu.memory_space<vmem>>
    %dma_wait3A_189 = tpu.memref_squeeze %dma_wait3A_188 : memref<1x128xi32, #tpu.memory_space<vmem>> -> memref<128xi32, #tpu.memory_space<vmem>>
    %dma_wait3A_190 = arith.constant 0 : i32
    %dma_wait3A_191 = arith.constant 0 : i32
    %dma_wait3A_192 = tpu.memref_slice %arg6[%dma_wait3A_190, %dma_wait3A_191] : memref<100000x64xf32, #tpu.memory_space<hbm>> -> memref<100000x64xf32, #tpu.memory_space<hbm>>
    tpu.wait_indirect_dma semaphore(%arg20 : memref<!tpu.dma_semaphore, #tpu.memory_space<semaphore_mem>>) src(%dma_wait3A_192 : memref<100000x64xf32, #tpu.memory_space<hbm>>) dst(%dma_wait3A_186 : memref<128x64xf32, #tpu.memory_space<vmem>>)
    %dma_wait3A_193 = arith.constant 1 : i32
    %dma_wait3A_194 = arith.constant 128 : i32
    %dma_wait3A_195 = arith.constant 0 : i32
    %dma_wait3A_196 = tpu.memref_slice %arg14[%dma_wait3A_194, %dma_wait3A_195] : memref<512x64xf32, #tpu.memory_space<vmem>> -> memref<128x64xf32, #tpu.memory_space<vmem>>
    %dma_wait3A_197 = arith.constant 0 : i32
    %dma_wait3A_198 = tpu.memref_slice %arg12[%dma_wait3A_193, %dma_wait3A_197] : memref<4x128xi32, #tpu.memory_space<vmem>> -> memref<1x128xi32, #tpu.memory_space<vmem>>
    %dma_wait3A_199 = tpu.memref_squeeze %dma_wait3A_198 : memref<1x128xi32, #tpu.memory_space<vmem>> -> memref<128xi32, #tpu.memory_space<vmem>>
    %dma_wait3A_200 = arith.constant 0 : i32
    %dma_wait3A_201 = arith.constant 0 : i32
    %dma_wait3A_202 = tpu.memref_slice %arg7[%dma_wait3A_200, %dma_wait3A_201] : memref<100000x64xf32, #tpu.memory_space<hbm>> -> memref<100000x64xf32, #tpu.memory_space<hbm>>
    tpu.wait_indirect_dma semaphore(%arg20 : memref<!tpu.dma_semaphore, #tpu.memory_space<semaphore_mem>>) src(%dma_wait3A_202 : memref<100000x64xf32, #tpu.memory_space<hbm>>) dst(%dma_wait3A_196 : memref<128x64xf32, #tpu.memory_space<vmem>>)
    %dma_wait3A_203 = arith.constant 1 : i32
    %dma_wait3A_204 = arith.constant 128 : i32
    %dma_wait3A_205 = tpu.memref_slice %arg15[%dma_wait3A_204] : memref<512xf32, #tpu.memory_space<vmem>> -> memref<128xf32, #tpu.memory_space<vmem>>
    %dma_wait3A_206 = arith.constant 0 : i32
    %dma_wait3A_207 = tpu.memref_slice %arg11[%dma_wait3A_203, %dma_wait3A_206] : memref<4x128xi32, #tpu.memory_space<vmem>> -> memref<1x128xi32, #tpu.memory_space<vmem>>
    %dma_wait3A_208 = tpu.memref_squeeze %dma_wait3A_207 : memref<1x128xi32, #tpu.memory_space<vmem>> -> memref<128xi32, #tpu.memory_space<vmem>>
    %dma_wait3A_209 = arith.constant 0 : i32
    %dma_wait3A_210 = tpu.memref_slice %arg8[%dma_wait3A_209] : memref<100000xf32, #tpu.memory_space<hbm>> -> memref<100000xf32, #tpu.memory_space<hbm>>
    tpu.wait_indirect_dma semaphore(%arg20 : memref<!tpu.dma_semaphore, #tpu.memory_space<semaphore_mem>>) src(%dma_wait3A_210 : memref<100000xf32, #tpu.memory_space<hbm>>) dst(%dma_wait3A_205 : memref<128xf32, #tpu.memory_space<vmem>>)
    %dma_wait3A_211 = arith.constant 1 : i32
    %dma_wait3A_212 = arith.constant 128 : i32
    %dma_wait3A_213 = tpu.memref_slice %arg16[%dma_wait3A_212] : memref<512xf32, #tpu.memory_space<vmem>> -> memref<128xf32, #tpu.memory_space<vmem>>
    %dma_wait3A_214 = arith.constant 0 : i32
    %dma_wait3A_215 = tpu.memref_slice %arg12[%dma_wait3A_211, %dma_wait3A_214] : memref<4x128xi32, #tpu.memory_space<vmem>> -> memref<1x128xi32, #tpu.memory_space<vmem>>
    %dma_wait3A_216 = tpu.memref_squeeze %dma_wait3A_215 : memref<1x128xi32, #tpu.memory_space<vmem>> -> memref<128xi32, #tpu.memory_space<vmem>>
    %dma_wait3A_217 = arith.constant 0 : i32
    %dma_wait3A_218 = tpu.memref_slice %arg9[%dma_wait3A_217] : memref<100000xf32, #tpu.memory_space<hbm>> -> memref<100000xf32, #tpu.memory_space<hbm>>
    tpu.wait_indirect_dma semaphore(%arg20 : memref<!tpu.dma_semaphore, #tpu.memory_space<semaphore_mem>>) src(%dma_wait3A_218 : memref<100000xf32, #tpu.memory_space<hbm>>) dst(%dma_wait3A_213 : memref<128xf32, #tpu.memory_space<vmem>>)
    %dma_wait3A_219 = arith.constant 2 : i32
    %dma_wait3A_220 = arith.constant 256 : i32
    %dma_wait3A_221 = arith.constant 0 : i32
    %dma_wait3A_222 = tpu.memref_slice %arg13[%dma_wait3A_220, %dma_wait3A_221] : memref<512x64xf32, #tpu.memory_space<vmem>> -> memref<128x64xf32, #tpu.memory_space<vmem>>
    %dma_wait3A_223 = arith.constant 0 : i32
    %dma_wait3A_224 = tpu.memref_slice %arg11[%dma_wait3A_219, %dma_wait3A_223] : memref<4x128xi32, #tpu.memory_space<vmem>> -> memref<1x128xi32, #tpu.memory_space<vmem>>
    %dma_wait3A_225 = tpu.memref_squeeze %dma_wait3A_224 : memref<1x128xi32, #tpu.memory_space<vmem>> -> memref<128xi32, #tpu.memory_space<vmem>>
    %dma_wait3A_226 = arith.constant 0 : i32
    %dma_wait3A_227 = arith.constant 0 : i32
    %dma_wait3A_228 = tpu.memref_slice %arg6[%dma_wait3A_226, %dma_wait3A_227] : memref<100000x64xf32, #tpu.memory_space<hbm>> -> memref<100000x64xf32, #tpu.memory_space<hbm>>
    tpu.wait_indirect_dma semaphore(%arg20 : memref<!tpu.dma_semaphore, #tpu.memory_space<semaphore_mem>>) src(%dma_wait3A_228 : memref<100000x64xf32, #tpu.memory_space<hbm>>) dst(%dma_wait3A_222 : memref<128x64xf32, #tpu.memory_space<vmem>>)
    %dma_wait3A_229 = arith.constant 2 : i32
    %dma_wait3A_230 = arith.constant 256 : i32
    %dma_wait3A_231 = arith.constant 0 : i32
    %dma_wait3A_232 = tpu.memref_slice %arg14[%dma_wait3A_230, %dma_wait3A_231] : memref<512x64xf32, #tpu.memory_space<vmem>> -> memref<128x64xf32, #tpu.memory_space<vmem>>
    %dma_wait3A_233 = arith.constant 0 : i32
    %dma_wait3A_234 = tpu.memref_slice %arg12[%dma_wait3A_229, %dma_wait3A_233] : memref<4x128xi32, #tpu.memory_space<vmem>> -> memref<1x128xi32, #tpu.memory_space<vmem>>
    %dma_wait3A_235 = tpu.memref_squeeze %dma_wait3A_234 : memref<1x128xi32, #tpu.memory_space<vmem>> -> memref<128xi32, #tpu.memory_space<vmem>>
    %dma_wait3A_236 = arith.constant 0 : i32
    %dma_wait3A_237 = arith.constant 0 : i32
    %dma_wait3A_238 = tpu.memref_slice %arg7[%dma_wait3A_236, %dma_wait3A_237] : memref<100000x64xf32, #tpu.memory_space<hbm>> -> memref<100000x64xf32, #tpu.memory_space<hbm>>
    tpu.wait_indirect_dma semaphore(%arg20 : memref<!tpu.dma_semaphore, #tpu.memory_space<semaphore_mem>>) src(%dma_wait3A_238 : memref<100000x64xf32, #tpu.memory_space<hbm>>) dst(%dma_wait3A_232 : memref<128x64xf32, #tpu.memory_space<vmem>>)
    %dma_wait3A_239 = arith.constant 2 : i32
    %dma_wait3A_240 = arith.constant 256 : i32
    %dma_wait3A_241 = tpu.memref_slice %arg15[%dma_wait3A_240] : memref<512xf32, #tpu.memory_space<vmem>> -> memref<128xf32, #tpu.memory_space<vmem>>
    %dma_wait3A_242 = arith.constant 0 : i32
    %dma_wait3A_243 = tpu.memref_slice %arg11[%dma_wait3A_239, %dma_wait3A_242] : memref<4x128xi32, #tpu.memory_space<vmem>> -> memref<1x128xi32, #tpu.memory_space<vmem>>
    %dma_wait3A_244 = tpu.memref_squeeze %dma_wait3A_243 : memref<1x128xi32, #tpu.memory_space<vmem>> -> memref<128xi32, #tpu.memory_space<vmem>>
    %dma_wait3A_245 = arith.constant 0 : i32
    %dma_wait3A_246 = tpu.memref_slice %arg8[%dma_wait3A_245] : memref<100000xf32, #tpu.memory_space<hbm>> -> memref<100000xf32, #tpu.memory_space<hbm>>
    tpu.wait_indirect_dma semaphore(%arg20 : memref<!tpu.dma_semaphore, #tpu.memory_space<semaphore_mem>>) src(%dma_wait3A_246 : memref<100000xf32, #tpu.memory_space<hbm>>) dst(%dma_wait3A_241 : memref<128xf32, #tpu.memory_space<vmem>>)
    %dma_wait3A_247 = arith.constant 2 : i32
    %dma_wait3A_248 = arith.constant 256 : i32
    %dma_wait3A_249 = tpu.memref_slice %arg16[%dma_wait3A_248] : memref<512xf32, #tpu.memory_space<vmem>> -> memref<128xf32, #tpu.memory_space<vmem>>
    %dma_wait3A_250 = arith.constant 0 : i32
    %dma_wait3A_251 = tpu.memref_slice %arg12[%dma_wait3A_247, %dma_wait3A_250] : memref<4x128xi32, #tpu.memory_space<vmem>> -> memref<1x128xi32, #tpu.memory_space<vmem>>
    %dma_wait3A_252 = tpu.memref_squeeze %dma_wait3A_251 : memref<1x128xi32, #tpu.memory_space<vmem>> -> memref<128xi32, #tpu.memory_space<vmem>>
    %dma_wait3A_253 = arith.constant 0 : i32
    %dma_wait3A_254 = tpu.memref_slice %arg9[%dma_wait3A_253] : memref<100000xf32, #tpu.memory_space<hbm>> -> memref<100000xf32, #tpu.memory_space<hbm>>
    tpu.wait_indirect_dma semaphore(%arg20 : memref<!tpu.dma_semaphore, #tpu.memory_space<semaphore_mem>>) src(%dma_wait3A_254 : memref<100000xf32, #tpu.memory_space<hbm>>) dst(%dma_wait3A_249 : memref<128xf32, #tpu.memory_space<vmem>>)
    %dma_wait3A_255 = arith.constant 3 : i32
    %dma_wait3A_256 = arith.constant 384 : i32
    %dma_wait3A_257 = arith.constant 0 : i32
    %dma_wait3A_258 = tpu.memref_slice %arg13[%dma_wait3A_256, %dma_wait3A_257] : memref<512x64xf32, #tpu.memory_space<vmem>> -> memref<128x64xf32, #tpu.memory_space<vmem>>
    %dma_wait3A_259 = arith.constant 0 : i32
    %dma_wait3A_260 = tpu.memref_slice %arg11[%dma_wait3A_255, %dma_wait3A_259] : memref<4x128xi32, #tpu.memory_space<vmem>> -> memref<1x128xi32, #tpu.memory_space<vmem>>
    %dma_wait3A_261 = tpu.memref_squeeze %dma_wait3A_260 : memref<1x128xi32, #tpu.memory_space<vmem>> -> memref<128xi32, #tpu.memory_space<vmem>>
    %dma_wait3A_262 = arith.constant 0 : i32
    %dma_wait3A_263 = arith.constant 0 : i32
    %dma_wait3A_264 = tpu.memref_slice %arg6[%dma_wait3A_262, %dma_wait3A_263] : memref<100000x64xf32, #tpu.memory_space<hbm>> -> memref<100000x64xf32, #tpu.memory_space<hbm>>
    tpu.wait_indirect_dma semaphore(%arg20 : memref<!tpu.dma_semaphore, #tpu.memory_space<semaphore_mem>>) src(%dma_wait3A_264 : memref<100000x64xf32, #tpu.memory_space<hbm>>) dst(%dma_wait3A_258 : memref<128x64xf32, #tpu.memory_space<vmem>>)
    %dma_wait3A_265 = arith.constant 3 : i32
    %dma_wait3A_266 = arith.constant 384 : i32
    %dma_wait3A_267 = arith.constant 0 : i32
    %dma_wait3A_268 = tpu.memref_slice %arg14[%dma_wait3A_266, %dma_wait3A_267] : memref<512x64xf32, #tpu.memory_space<vmem>> -> memref<128x64xf32, #tpu.memory_space<vmem>>
    %dma_wait3A_269 = arith.constant 0 : i32
    %dma_wait3A_270 = tpu.memref_slice %arg12[%dma_wait3A_265, %dma_wait3A_269] : memref<4x128xi32, #tpu.memory_space<vmem>> -> memref<1x128xi32, #tpu.memory_space<vmem>>
    %dma_wait3A_271 = tpu.memref_squeeze %dma_wait3A_270 : memref<1x128xi32, #tpu.memory_space<vmem>> -> memref<128xi32, #tpu.memory_space<vmem>>
    %dma_wait3A_272 = arith.constant 0 : i32
    %dma_wait3A_273 = arith.constant 0 : i32
    %dma_wait3A_274 = tpu.memref_slice %arg7[%dma_wait3A_272, %dma_wait3A_273] : memref<100000x64xf32, #tpu.memory_space<hbm>> -> memref<100000x64xf32, #tpu.memory_space<hbm>>
    tpu.wait_indirect_dma semaphore(%arg20 : memref<!tpu.dma_semaphore, #tpu.memory_space<semaphore_mem>>) src(%dma_wait3A_274 : memref<100000x64xf32, #tpu.memory_space<hbm>>) dst(%dma_wait3A_268 : memref<128x64xf32, #tpu.memory_space<vmem>>)
    %dma_wait3A_275 = arith.constant 3 : i32
    %dma_wait3A_276 = arith.constant 384 : i32
    %dma_wait3A_277 = tpu.memref_slice %arg15[%dma_wait3A_276] : memref<512xf32, #tpu.memory_space<vmem>> -> memref<128xf32, #tpu.memory_space<vmem>>
    %dma_wait3A_278 = arith.constant 0 : i32
    %dma_wait3A_279 = tpu.memref_slice %arg11[%dma_wait3A_275, %dma_wait3A_278] : memref<4x128xi32, #tpu.memory_space<vmem>> -> memref<1x128xi32, #tpu.memory_space<vmem>>
    %dma_wait3A_280 = tpu.memref_squeeze %dma_wait3A_279 : memref<1x128xi32, #tpu.memory_space<vmem>> -> memref<128xi32, #tpu.memory_space<vmem>>
    %dma_wait3A_281 = arith.constant 0 : i32
    %dma_wait3A_282 = tpu.memref_slice %arg8[%dma_wait3A_281] : memref<100000xf32, #tpu.memory_space<hbm>> -> memref<100000xf32, #tpu.memory_space<hbm>>
    tpu.wait_indirect_dma semaphore(%arg20 : memref<!tpu.dma_semaphore, #tpu.memory_space<semaphore_mem>>) src(%dma_wait3A_282 : memref<100000xf32, #tpu.memory_space<hbm>>) dst(%dma_wait3A_277 : memref<128xf32, #tpu.memory_space<vmem>>)
    %dma_wait3A_283 = arith.constant 3 : i32
    %dma_wait3A_284 = arith.constant 384 : i32
    %dma_wait3A_285 = tpu.memref_slice %arg16[%dma_wait3A_284] : memref<512xf32, #tpu.memory_space<vmem>> -> memref<128xf32, #tpu.memory_space<vmem>>
    %dma_wait3A_286 = arith.constant 0 : i32
    %dma_wait3A_287 = tpu.memref_slice %arg12[%dma_wait3A_283, %dma_wait3A_286] : memref<4x128xi32, #tpu.memory_space<vmem>> -> memref<1x128xi32, #tpu.memory_space<vmem>>
    %dma_wait3A_288 = tpu.memref_squeeze %dma_wait3A_287 : memref<1x128xi32, #tpu.memory_space<vmem>> -> memref<128xi32, #tpu.memory_space<vmem>>
    %dma_wait3A_289 = arith.constant 0 : i32
    %dma_wait3A_290 = tpu.memref_slice %arg9[%dma_wait3A_289] : memref<100000xf32, #tpu.memory_space<hbm>> -> memref<100000xf32, #tpu.memory_space<hbm>>
    tpu.wait_indirect_dma semaphore(%arg20 : memref<!tpu.dma_semaphore, #tpu.memory_space<semaphore_mem>>) src(%dma_wait3A_290 : memref<100000xf32, #tpu.memory_space<hbm>>) dst(%dma_wait3A_285 : memref<128xf32, #tpu.memory_space<vmem>>)
    %iota3A = tpu.iota {dimensions = array<i32: 0>} : vector<16xi32>
    %broadcast_in_dim3A = arith.constant 0.000000e+00 : f32
    %broadcast_in_dim3A_291 = vector.broadcast %broadcast_in_dim3A : f32 to vector<16xf32>
    %scan3A = arith.constant 0 : i32
    %scan3A_292 = arith.constant 32 : i32
    %scan3A_293 = arith.addi %scan3A, %scan3A_292 : i32
    %scan3A_294 = arith.constant 1 : i32
    %scan3A_295 = scf.for %scan3A_298 = %scan3A to %scan3A_293 step %scan3A_294 iter_args(%scan3A_299 = %broadcast_in_dim3A_291) -> (vector<16xf32>)  : i32 {
      %broadcast_in_dim3A_300 = arith.constant 0.000000e+00 : f32
      %broadcast_in_dim3A_301 = vector.broadcast %broadcast_in_dim3A_300 : f32 to vector<16xf32>
      %mul3A_302 = arith.constant 16 : i32
      %mul3A_303 = arith.muli %scan3A_298, %mul3A_302 : i32
      %add3A_304 = arith.constant 0 : i32
      %add3A_305 = arith.addi %mul3A_303, %add3A_304 : i32
      %get3A = arith.index_cast %add3A_305 : i32 to index
      %get3A_306 = arith.constant 0 : index
      %get3A_307 = tpu.vector_load %arg13[%get3A, %get3A_306] {strides = array<i32>} : memref<512x64xf32, #tpu.memory_space<vmem>>, vector<16xf32>,
      %get3A_308 = arith.index_cast %add3A_305 : i32 to index
      %get3A_309 = arith.constant 0 : index
      %get3A_310 = tpu.vector_load %arg14[%get3A_308, %get3A_309] {strides = array<i32>} : memref<512x64xf32, #tpu.memory_space<vmem>>, vector<16xf32>,
      %mul3A_311 = arith.mulf %get3A_307, %get3A_310 : vector<16xf32>
      %get3A_312 = arith.index_cast %add3A_305 : i32 to index
      %get3A_313 = arith.constant 16 : index
      %get3A_314 = tpu.vector_load %arg13[%get3A_312, %get3A_313] {strides = array<i32>} : memref<512x64xf32, #tpu.memory_space<vmem>>, vector<16xf32>,
      %get3A_315 = arith.index_cast %add3A_305 : i32 to index
      %get3A_316 = arith.constant 16 : index
      %get3A_317 = tpu.vector_load %arg14[%get3A_315, %get3A_316] {strides = array<i32>} : memref<512x64xf32, #tpu.memory_space<vmem>>, vector<16xf32>,
      %mul3A_318 = arith.mulf %get3A_314, %get3A_317 : vector<16xf32>
      %add3A_319 = arith.addf %mul3A_311, %mul3A_318 : vector<16xf32>
      %get3A_320 = arith.index_cast %add3A_305 : i32 to index
      %get3A_321 = arith.constant 32 : index
      %get3A_322 = tpu.vector_load %arg13[%get3A_320, %get3A_321] {strides = array<i32>} : memref<512x64xf32, #tpu.memory_space<vmem>>, vector<16xf32>,
      %get3A_323 = arith.index_cast %add3A_305 : i32 to index
      %get3A_324 = arith.constant 32 : index
      %get3A_325 = tpu.vector_load %arg14[%get3A_323, %get3A_324] {strides = array<i32>} : memref<512x64xf32, #tpu.memory_space<vmem>>, vector<16xf32>,
      %mul3A_326 = arith.mulf %get3A_322, %get3A_325 : vector<16xf32>
      %add3A_327 = arith.addf %add3A_319, %mul3A_326 : vector<16xf32>
      %get3A_328 = arith.index_cast %add3A_305 : i32 to index
      %get3A_329 = arith.constant 48 : index
      %get3A_330 = tpu.vector_load %arg13[%get3A_328, %get3A_329] {strides = array<i32>} : memref<512x64xf32, #tpu.memory_space<vmem>>, vector<16xf32>,
      %get3A_331 = arith.index_cast %add3A_305 : i32 to index
      %get3A_332 = arith.constant 48 : index
      %get3A_333 = tpu.vector_load %arg14[%get3A_331, %get3A_332] {strides = array<i32>} : memref<512x64xf32, #tpu.memory_space<vmem>>, vector<16xf32>,
      %mul3A_334 = arith.mulf %get3A_330, %get3A_333 : vector<16xf32>
      %add3A_335 = arith.addf %add3A_327, %mul3A_334 : vector<16xf32>
      %eq3A = arith.constant 0 : i32
      %eq3A_336 = vector.broadcast %eq3A : i32 to vector<16xi32>
      %eq3A_337 = arith.cmpi eq, %iota3A, %eq3A_336 : vector<16xi32>
      %reduce_sum3A = arith.constant true
      %reduce_sum3A_338 = vector.broadcast %reduce_sum3A : i1 to vector<16xi1>
      %reduce_sum3A_339 = tpu.scan <sum>, %add3A_335 masked %reduce_sum3A_338 : vector<16xf32>, vector<16xi1> -> vector<16xf32>
      %reduce_sum3A_340 = vector.extract %reduce_sum3A_339[15] : f32 from vector<16xf32>
      %broadcast_in_dim3A_341 = vector.broadcast %reduce_sum3A_340 : f32 to vector<16xf32>
      %select_n3A = arith.select %eq3A_337, %broadcast_in_dim3A_341, %broadcast_in_dim3A_301 : vector<16xi1>, vector<16xf32>
      %mul3A_342 = arith.constant 16 : i32
      %mul3A_343 = arith.muli %scan3A_298, %mul3A_342 : i32
      %add3A_344 = arith.constant 1 : i32
      %add3A_345 = arith.addi %mul3A_343, %add3A_344 : i32
      %get3A_346 = arith.index_cast %add3A_345 : i32 to index
      %get3A_347 = arith.constant 0 : index
      %get3A_348 = tpu.vector_load %arg13[%get3A_346, %get3A_347] {strides = array<i32>} : memref<512x64xf32, #tpu.memory_space<vmem>>, vector<16xf32>,
      %get3A_349 = arith.index_cast %add3A_345 : i32 to index
      %get3A_350 = arith.constant 0 : index
      %get3A_351 = tpu.vector_load %arg14[%get3A_349, %get3A_350] {strides = array<i32>} : memref<512x64xf32, #tpu.memory_space<vmem>>, vector<16xf32>,
      %mul3A_352 = arith.mulf %get3A_348, %get3A_351 : vector<16xf32>
      %get3A_353 = arith.index_cast %add3A_345 : i32 to index
      %get3A_354 = arith.constant 16 : index
      %get3A_355 = tpu.vector_load %arg13[%get3A_353, %get3A_354] {strides = array<i32>} : memref<512x64xf32, #tpu.memory_space<vmem>>, vector<16xf32>,
      %get3A_356 = arith.index_cast %add3A_345 : i32 to index
      %get3A_357 = arith.constant 16 : index
      %get3A_358 = tpu.vector_load %arg14[%get3A_356, %get3A_357] {strides = array<i32>} : memref<512x64xf32, #tpu.memory_space<vmem>>, vector<16xf32>,
      %mul3A_359 = arith.mulf %get3A_355, %get3A_358 : vector<16xf32>
      %add3A_360 = arith.addf %mul3A_352, %mul3A_359 : vector<16xf32>
      %get3A_361 = arith.index_cast %add3A_345 : i32 to index
      %get3A_362 = arith.constant 32 : index
      %get3A_363 = tpu.vector_load %arg13[%get3A_361, %get3A_362] {strides = array<i32>} : memref<512x64xf32, #tpu.memory_space<vmem>>, vector<16xf32>,
      %get3A_364 = arith.index_cast %add3A_345 : i32 to index
      %get3A_365 = arith.constant 32 : index
      %get3A_366 = tpu.vector_load %arg14[%get3A_364, %get3A_365] {strides = array<i32>} : memref<512x64xf32, #tpu.memory_space<vmem>>, vector<16xf32>,
      %mul3A_367 = arith.mulf %get3A_363, %get3A_366 : vector<16xf32>
      %add3A_368 = arith.addf %add3A_360, %mul3A_367 : vector<16xf32>
      %get3A_369 = arith.index_cast %add3A_345 : i32 to index
      %get3A_370 = arith.constant 48 : index
      %get3A_371 = tpu.vector_load %arg13[%get3A_369, %get3A_370] {strides = array<i32>} : memref<512x64xf32, #tpu.memory_space<vmem>>, vector<16xf32>,
      %get3A_372 = arith.index_cast %add3A_345 : i32 to index
      %get3A_373 = arith.constant 48 : index
      %get3A_374 = tpu.vector_load %arg14[%get3A_372, %get3A_373] {strides = array<i32>} : memref<512x64xf32, #tpu.memory_space<vmem>>, vector<16xf32>,
      %mul3A_375 = arith.mulf %get3A_371, %get3A_374 : vector<16xf32>
      %add3A_376 = arith.addf %add3A_368, %mul3A_375 : vector<16xf32>
      %eq3A_377 = arith.constant 1 : i32
      %eq3A_378 = vector.broadcast %eq3A_377 : i32 to vector<16xi32>
      %eq3A_379 = arith.cmpi eq, %iota3A, %eq3A_378 : vector<16xi32>
      %reduce_sum3A_380 = arith.constant true
      %reduce_sum3A_381 = vector.broadcast %reduce_sum3A_380 : i1 to vector<16xi1>
      %reduce_sum3A_382 = tpu.scan <sum>, %add3A_376 masked %reduce_sum3A_381 : vector<16xf32>, vector<16xi1> -> vector<16xf32>
      %reduce_sum3A_383 = vector.extract %reduce_sum3A_382[15] : f32 from vector<16xf32>
      %broadcast_in_dim3A_384 = vector.broadcast %reduce_sum3A_383 : f32 to vector<16xf32>
      %select_n3A_385 = arith.select %eq3A_379, %broadcast_in_dim3A_384, %select_n3A : vector<16xi1>, vector<16xf32>
      %mul3A_386 = arith.constant 16 : i32
      %mul3A_387 = arith.muli %scan3A_298, %mul3A_386 : i32
      %add3A_388 = arith.constant 2 : i32
      %add3A_389 = arith.addi %mul3A_387, %add3A_388 : i32
      %get3A_390 = arith.index_cast %add3A_389 : i32 to index
      %get3A_391 = arith.constant 0 : index
      %get3A_392 = tpu.vector_load %arg13[%get3A_390, %get3A_391] {strides = array<i32>} : memref<512x64xf32, #tpu.memory_space<vmem>>, vector<16xf32>,
      %get3A_393 = arith.index_cast %add3A_389 : i32 to index
      %get3A_394 = arith.constant 0 : index
      %get3A_395 = tpu.vector_load %arg14[%get3A_393, %get3A_394] {strides = array<i32>} : memref<512x64xf32, #tpu.memory_space<vmem>>, vector<16xf32>,
      %mul3A_396 = arith.mulf %get3A_392, %get3A_395 : vector<16xf32>
      %get3A_397 = arith.index_cast %add3A_389 : i32 to index
      %get3A_398 = arith.constant 16 : index
      %get3A_399 = tpu.vector_load %arg13[%get3A_397, %get3A_398] {strides = array<i32>} : memref<512x64xf32, #tpu.memory_space<vmem>>, vector<16xf32>,
      %get3A_400 = arith.index_cast %add3A_389 : i32 to index
      %get3A_401 = arith.constant 16 : index
      %get3A_402 = tpu.vector_load %arg14[%get3A_400, %get3A_401] {strides = array<i32>} : memref<512x64xf32, #tpu.memory_space<vmem>>, vector<16xf32>,
      %mul3A_403 = arith.mulf %get3A_399, %get3A_402 : vector<16xf32>
      %add3A_404 = arith.addf %mul3A_396, %mul3A_403 : vector<16xf32>
      %get3A_405 = arith.index_cast %add3A_389 : i32 to index
      %get3A_406 = arith.constant 32 : index
      %get3A_407 = tpu.vector_load %arg13[%get3A_405, %get3A_406] {strides = array<i32>} : memref<512x64xf32, #tpu.memory_space<vmem>>, vector<16xf32>,
      %get3A_408 = arith.index_cast %add3A_389 : i32 to index
      %get3A_409 = arith.constant 32 : index
      %get3A_410 = tpu.vector_load %arg14[%get3A_408, %get3A_409] {strides = array<i32>} : memref<512x64xf32, #tpu.memory_space<vmem>>, vector<16xf32>,
      %mul3A_411 = arith.mulf %get3A_407, %get3A_410 : vector<16xf32>
      %add3A_412 = arith.addf %add3A_404, %mul3A_411 : vector<16xf32>
      %get3A_413 = arith.index_cast %add3A_389 : i32 to index
      %get3A_414 = arith.constant 48 : index
      %get3A_415 = tpu.vector_load %arg13[%get3A_413, %get3A_414] {strides = array<i32>} : memref<512x64xf32, #tpu.memory_space<vmem>>, vector<16xf32>,
      %get3A_416 = arith.index_cast %add3A_389 : i32 to index
      %get3A_417 = arith.constant 48 : index
      %get3A_418 = tpu.vector_load %arg14[%get3A_416, %get3A_417] {strides = array<i32>} : memref<512x64xf32, #tpu.memory_space<vmem>>, vector<16xf32>,
      %mul3A_419 = arith.mulf %get3A_415, %get3A_418 : vector<16xf32>
      %add3A_420 = arith.addf %add3A_412, %mul3A_419 : vector<16xf32>
      %eq3A_421 = arith.constant 2 : i32
      %eq3A_422 = vector.broadcast %eq3A_421 : i32 to vector<16xi32>
      %eq3A_423 = arith.cmpi eq, %iota3A, %eq3A_422 : vector<16xi32>
      %reduce_sum3A_424 = arith.constant true
      %reduce_sum3A_425 = vector.broadcast %reduce_sum3A_424 : i1 to vector<16xi1>
      %reduce_sum3A_426 = tpu.scan <sum>, %add3A_420 masked %reduce_sum3A_425 : vector<16xf32>, vector<16xi1> -> vector<16xf32>
      %reduce_sum3A_427 = vector.extract %reduce_sum3A_426[15] : f32 from vector<16xf32>
      %broadcast_in_dim3A_428 = vector.broadcast %reduce_sum3A_427 : f32 to vector<16xf32>
      %select_n3A_429 = arith.select %eq3A_423, %broadcast_in_dim3A_428, %select_n3A_385 : vector<16xi1>, vector<16xf32>
      %mul3A_430 = arith.constant 16 : i32
      %mul3A_431 = arith.muli %scan3A_298, %mul3A_430 : i32
      %add3A_432 = arith.constant 3 : i32
      %add3A_433 = arith.addi %mul3A_431, %add3A_432 : i32
      %get3A_434 = arith.index_cast %add3A_433 : i32 to index
      %get3A_435 = arith.constant 0 : index
      %get3A_436 = tpu.vector_load %arg13[%get3A_434, %get3A_435] {strides = array<i32>} : memref<512x64xf32, #tpu.memory_space<vmem>>, vector<16xf32>,
      %get3A_437 = arith.index_cast %add3A_433 : i32 to index
      %get3A_438 = arith.constant 0 : index
      %get3A_439 = tpu.vector_load %arg14[%get3A_437, %get3A_438] {strides = array<i32>} : memref<512x64xf32, #tpu.memory_space<vmem>>, vector<16xf32>,
      %mul3A_440 = arith.mulf %get3A_436, %get3A_439 : vector<16xf32>
      %get3A_441 = arith.index_cast %add3A_433 : i32 to index
      %get3A_442 = arith.constant 16 : index
      %get3A_443 = tpu.vector_load %arg13[%get3A_441, %get3A_442] {strides = array<i32>} : memref<512x64xf32, #tpu.memory_space<vmem>>, vector<16xf32>,
      %get3A_444 = arith.index_cast %add3A_433 : i32 to index
      %get3A_445 = arith.constant 16 : index
      %get3A_446 = tpu.vector_load %arg14[%get3A_444, %get3A_445] {strides = array<i32>} : memref<512x64xf32, #tpu.memory_space<vmem>>, vector<16xf32>,
      %mul3A_447 = arith.mulf %get3A_443, %get3A_446 : vector<16xf32>
      %add3A_448 = arith.addf %mul3A_440, %mul3A_447 : vector<16xf32>
      %get3A_449 = arith.index_cast %add3A_433 : i32 to index
      %get3A_450 = arith.constant 32 : index
      %get3A_451 = tpu.vector_load %arg13[%get3A_449, %get3A_450] {strides = array<i32>} : memref<512x64xf32, #tpu.memory_space<vmem>>, vector<16xf32>,
      %get3A_452 = arith.index_cast %add3A_433 : i32 to index
      %get3A_453 = arith.constant 32 : index
      %get3A_454 = tpu.vector_load %arg14[%get3A_452, %get3A_453] {strides = array<i32>} : memref<512x64xf32, #tpu.memory_space<vmem>>, vector<16xf32>,
      %mul3A_455 = arith.mulf %get3A_451, %get3A_454 : vector<16xf32>
      %add3A_456 = arith.addf %add3A_448, %mul3A_455 : vector<16xf32>
      %get3A_457 = arith.index_cast %add3A_433 : i32 to index
      %get3A_458 = arith.constant 48 : index
      %get3A_459 = tpu.vector_load %arg13[%get3A_457, %get3A_458] {strides = array<i32>} : memref<512x64xf32, #tpu.memory_space<vmem>>, vector<16xf32>,
      %get3A_460 = arith.index_cast %add3A_433 : i32 to index
      %get3A_461 = arith.constant 48 : index
      %get3A_462 = tpu.vector_load %arg14[%get3A_460, %get3A_461] {strides = array<i32>} : memref<512x64xf32, #tpu.memory_space<vmem>>, vector<16xf32>,
      %mul3A_463 = arith.mulf %get3A_459, %get3A_462 : vector<16xf32>
      %add3A_464 = arith.addf %add3A_456, %mul3A_463 : vector<16xf32>
      %eq3A_465 = arith.constant 3 : i32
      %eq3A_466 = vector.broadcast %eq3A_465 : i32 to vector<16xi32>
      %eq3A_467 = arith.cmpi eq, %iota3A, %eq3A_466 : vector<16xi32>
      %reduce_sum3A_468 = arith.constant true
      %reduce_sum3A_469 = vector.broadcast %reduce_sum3A_468 : i1 to vector<16xi1>
      %reduce_sum3A_470 = tpu.scan <sum>, %add3A_464 masked %reduce_sum3A_469 : vector<16xf32>, vector<16xi1> -> vector<16xf32>
      %reduce_sum3A_471 = vector.extract %reduce_sum3A_470[15] : f32 from vector<16xf32>
      %broadcast_in_dim3A_472 = vector.broadcast %reduce_sum3A_471 : f32 to vector<16xf32>
      %select_n3A_473 = arith.select %eq3A_467, %broadcast_in_dim3A_472, %select_n3A_429 : vector<16xi1>, vector<16xf32>
      %mul3A_474 = arith.constant 16 : i32
      %mul3A_475 = arith.muli %scan3A_298, %mul3A_474 : i32
      %add3A_476 = arith.constant 4 : i32
      %add3A_477 = arith.addi %mul3A_475, %add3A_476 : i32
      %get3A_478 = arith.index_cast %add3A_477 : i32 to index
      %get3A_479 = arith.constant 0 : index
      %get3A_480 = tpu.vector_load %arg13[%get3A_478, %get3A_479] {strides = array<i32>} : memref<512x64xf32, #tpu.memory_space<vmem>>, vector<16xf32>,
      %get3A_481 = arith.index_cast %add3A_477 : i32 to index
      %get3A_482 = arith.constant 0 : index
      %get3A_483 = tpu.vector_load %arg14[%get3A_481, %get3A_482] {strides = array<i32>} : memref<512x64xf32, #tpu.memory_space<vmem>>, vector<16xf32>,
      %mul3A_484 = arith.mulf %get3A_480, %get3A_483 : vector<16xf32>
      %get3A_485 = arith.index_cast %add3A_477 : i32 to index
      %get3A_486 = arith.constant 16 : index
      %get3A_487 = tpu.vector_load %arg13[%get3A_485, %get3A_486] {strides = array<i32>} : memref<512x64xf32, #tpu.memory_space<vmem>>, vector<16xf32>,
      %get3A_488 = arith.index_cast %add3A_477 : i32 to index
      %get3A_489 = arith.constant 16 : index
      %get3A_490 = tpu.vector_load %arg14[%get3A_488, %get3A_489] {strides = array<i32>} : memref<512x64xf32, #tpu.memory_space<vmem>>, vector<16xf32>,
      %mul3A_491 = arith.mulf %get3A_487, %get3A_490 : vector<16xf32>
      %add3A_492 = arith.addf %mul3A_484, %mul3A_491 : vector<16xf32>
      %get3A_493 = arith.index_cast %add3A_477 : i32 to index
      %get3A_494 = arith.constant 32 : index
      %get3A_495 = tpu.vector_load %arg13[%get3A_493, %get3A_494] {strides = array<i32>} : memref<512x64xf32, #tpu.memory_space<vmem>>, vector<16xf32>,
      %get3A_496 = arith.index_cast %add3A_477 : i32 to index
      %get3A_497 = arith.constant 32 : index
      %get3A_498 = tpu.vector_load %arg14[%get3A_496, %get3A_497] {strides = array<i32>} : memref<512x64xf32, #tpu.memory_space<vmem>>, vector<16xf32>,
      %mul3A_499 = arith.mulf %get3A_495, %get3A_498 : vector<16xf32>
      %add3A_500 = arith.addf %add3A_492, %mul3A_499 : vector<16xf32>
      %get3A_501 = arith.index_cast %add3A_477 : i32 to index
      %get3A_502 = arith.constant 48 : index
      %get3A_503 = tpu.vector_load %arg13[%get3A_501, %get3A_502] {strides = array<i32>} : memref<512x64xf32, #tpu.memory_space<vmem>>, vector<16xf32>,
      %get3A_504 = arith.index_cast %add3A_477 : i32 to index
      %get3A_505 = arith.constant 48 : index
      %get3A_506 = tpu.vector_load %arg14[%get3A_504, %get3A_505] {strides = array<i32>} : memref<512x64xf32, #tpu.memory_space<vmem>>, vector<16xf32>,
      %mul3A_507 = arith.mulf %get3A_503, %get3A_506 : vector<16xf32>
      %add3A_508 = arith.addf %add3A_500, %mul3A_507 : vector<16xf32>
      %eq3A_509 = arith.constant 4 : i32
      %eq3A_510 = vector.broadcast %eq3A_509 : i32 to vector<16xi32>
      %eq3A_511 = arith.cmpi eq, %iota3A, %eq3A_510 : vector<16xi32>
      %reduce_sum3A_512 = arith.constant true
      %reduce_sum3A_513 = vector.broadcast %reduce_sum3A_512 : i1 to vector<16xi1>
      %reduce_sum3A_514 = tpu.scan <sum>, %add3A_508 masked %reduce_sum3A_513 : vector<16xf32>, vector<16xi1> -> vector<16xf32>
      %reduce_sum3A_515 = vector.extract %reduce_sum3A_514[15] : f32 from vector<16xf32>
      %broadcast_in_dim3A_516 = vector.broadcast %reduce_sum3A_515 : f32 to vector<16xf32>
      %select_n3A_517 = arith.select %eq3A_511, %broadcast_in_dim3A_516, %select_n3A_473 : vector<16xi1>, vector<16xf32>
      %mul3A_518 = arith.constant 16 : i32
      %mul3A_519 = arith.muli %scan3A_298, %mul3A_518 : i32
      %add3A_520 = arith.constant 5 : i32
      %add3A_521 = arith.addi %mul3A_519, %add3A_520 : i32
      %get3A_522 = arith.index_cast %add3A_521 : i32 to index
      %get3A_523 = arith.constant 0 : index
      %get3A_524 = tpu.vector_load %arg13[%get3A_522, %get3A_523] {strides = array<i32>} : memref<512x64xf32, #tpu.memory_space<vmem>>, vector<16xf32>,
      %get3A_525 = arith.index_cast %add3A_521 : i32 to index
      %get3A_526 = arith.constant 0 : index
      %get3A_527 = tpu.vector_load %arg14[%get3A_525, %get3A_526] {strides = array<i32>} : memref<512x64xf32, #tpu.memory_space<vmem>>, vector<16xf32>,
      %mul3A_528 = arith.mulf %get3A_524, %get3A_527 : vector<16xf32>
      %get3A_529 = arith.index_cast %add3A_521 : i32 to index
      %get3A_530 = arith.constant 16 : index
      %get3A_531 = tpu.vector_load %arg13[%get3A_529, %get3A_530] {strides = array<i32>} : memref<512x64xf32, #tpu.memory_space<vmem>>, vector<16xf32>,
      %get3A_532 = arith.index_cast %add3A_521 : i32 to index
      %get3A_533 = arith.constant 16 : index
      %get3A_534 = tpu.vector_load %arg14[%get3A_532, %get3A_533] {strides = array<i32>} : memref<512x64xf32, #tpu.memory_space<vmem>>, vector<16xf32>,
      %mul3A_535 = arith.mulf %get3A_531, %get3A_534 : vector<16xf32>
      %add3A_536 = arith.addf %mul3A_528, %mul3A_535 : vector<16xf32>
      %get3A_537 = arith.index_cast %add3A_521 : i32 to index
      %get3A_538 = arith.constant 32 : index
      %get3A_539 = tpu.vector_load %arg13[%get3A_537, %get3A_538] {strides = array<i32>} : memref<512x64xf32, #tpu.memory_space<vmem>>, vector<16xf32>,
      %get3A_540 = arith.index_cast %add3A_521 : i32 to index
      %get3A_541 = arith.constant 32 : index
      %get3A_542 = tpu.vector_load %arg14[%get3A_540, %get3A_541] {strides = array<i32>} : memref<512x64xf32, #tpu.memory_space<vmem>>, vector<16xf32>,
      %mul3A_543 = arith.mulf %get3A_539, %get3A_542 : vector<16xf32>
      %add3A_544 = arith.addf %add3A_536, %mul3A_543 : vector<16xf32>
      %get3A_545 = arith.index_cast %add3A_521 : i32 to index
      %get3A_546 = arith.constant 48 : index
      %get3A_547 = tpu.vector_load %arg13[%get3A_545, %get3A_546] {strides = array<i32>} : memref<512x64xf32, #tpu.memory_space<vmem>>, vector<16xf32>,
      %get3A_548 = arith.index_cast %add3A_521 : i32 to index
      %get3A_549 = arith.constant 48 : index
      %get3A_550 = tpu.vector_load %arg14[%get3A_548, %get3A_549] {strides = array<i32>} : memref<512x64xf32, #tpu.memory_space<vmem>>, vector<16xf32>,
      %mul3A_551 = arith.mulf %get3A_547, %get3A_550 : vector<16xf32>
      %add3A_552 = arith.addf %add3A_544, %mul3A_551 : vector<16xf32>
      %eq3A_553 = arith.constant 5 : i32
      %eq3A_554 = vector.broadcast %eq3A_553 : i32 to vector<16xi32>
      %eq3A_555 = arith.cmpi eq, %iota3A, %eq3A_554 : vector<16xi32>
      %reduce_sum3A_556 = arith.constant true
      %reduce_sum3A_557 = vector.broadcast %reduce_sum3A_556 : i1 to vector<16xi1>
      %reduce_sum3A_558 = tpu.scan <sum>, %add3A_552 masked %reduce_sum3A_557 : vector<16xf32>, vector<16xi1> -> vector<16xf32>
      %reduce_sum3A_559 = vector.extract %reduce_sum3A_558[15] : f32 from vector<16xf32>
      %broadcast_in_dim3A_560 = vector.broadcast %reduce_sum3A_559 : f32 to vector<16xf32>
      %select_n3A_561 = arith.select %eq3A_555, %broadcast_in_dim3A_560, %select_n3A_517 : vector<16xi1>, vector<16xf32>
      %mul3A_562 = arith.constant 16 : i32
      %mul3A_563 = arith.muli %scan3A_298, %mul3A_562 : i32
      %add3A_564 = arith.constant 6 : i32
      %add3A_565 = arith.addi %mul3A_563, %add3A_564 : i32
      %get3A_566 = arith.index_cast %add3A_565 : i32 to index
      %get3A_567 = arith.constant 0 : index
      %get3A_568 = tpu.vector_load %arg13[%get3A_566, %get3A_567] {strides = array<i32>} : memref<512x64xf32, #tpu.memory_space<vmem>>, vector<16xf32>,
      %get3A_569 = arith.index_cast %add3A_565 : i32 to index
      %get3A_570 = arith.constant 0 : index
      %get3A_571 = tpu.vector_load %arg14[%get3A_569, %get3A_570] {strides = array<i32>} : memref<512x64xf32, #tpu.memory_space<vmem>>, vector<16xf32>,
      %mul3A_572 = arith.mulf %get3A_568, %get3A_571 : vector<16xf32>
      %get3A_573 = arith.index_cast %add3A_565 : i32 to index
      %get3A_574 = arith.constant 16 : index
      %get3A_575 = tpu.vector_load %arg13[%get3A_573, %get3A_574] {strides = array<i32>} : memref<512x64xf32, #tpu.memory_space<vmem>>, vector<16xf32>,
      %get3A_576 = arith.index_cast %add3A_565 : i32 to index
      %get3A_577 = arith.constant 16 : index
      %get3A_578 = tpu.vector_load %arg14[%get3A_576, %get3A_577] {strides = array<i32>} : memref<512x64xf32, #tpu.memory_space<vmem>>, vector<16xf32>,
      %mul3A_579 = arith.mulf %get3A_575, %get3A_578 : vector<16xf32>
      %add3A_580 = arith.addf %mul3A_572, %mul3A_579 : vector<16xf32>
      %get3A_581 = arith.index_cast %add3A_565 : i32 to index
      %get3A_582 = arith.constant 32 : index
      %get3A_583 = tpu.vector_load %arg13[%get3A_581, %get3A_582] {strides = array<i32>} : memref<512x64xf32, #tpu.memory_space<vmem>>, vector<16xf32>,
      %get3A_584 = arith.index_cast %add3A_565 : i32 to index
      %get3A_585 = arith.constant 32 : index
      %get3A_586 = tpu.vector_load %arg14[%get3A_584, %get3A_585] {strides = array<i32>} : memref<512x64xf32, #tpu.memory_space<vmem>>, vector<16xf32>,
      %mul3A_587 = arith.mulf %get3A_583, %get3A_586 : vector<16xf32>
      %add3A_588 = arith.addf %add3A_580, %mul3A_587 : vector<16xf32>
      %get3A_589 = arith.index_cast %add3A_565 : i32 to index
      %get3A_590 = arith.constant 48 : index
      %get3A_591 = tpu.vector_load %arg13[%get3A_589, %get3A_590] {strides = array<i32>} : memref<512x64xf32, #tpu.memory_space<vmem>>, vector<16xf32>,
      %get3A_592 = arith.index_cast %add3A_565 : i32 to index
      %get3A_593 = arith.constant 48 : index
      %get3A_594 = tpu.vector_load %arg14[%get3A_592, %get3A_593] {strides = array<i32>} : memref<512x64xf32, #tpu.memory_space<vmem>>, vector<16xf32>,
      %mul3A_595 = arith.mulf %get3A_591, %get3A_594 : vector<16xf32>
      %add3A_596 = arith.addf %add3A_588, %mul3A_595 : vector<16xf32>
      %eq3A_597 = arith.constant 6 : i32
      %eq3A_598 = vector.broadcast %eq3A_597 : i32 to vector<16xi32>
      %eq3A_599 = arith.cmpi eq, %iota3A, %eq3A_598 : vector<16xi32>
      %reduce_sum3A_600 = arith.constant true
      %reduce_sum3A_601 = vector.broadcast %reduce_sum3A_600 : i1 to vector<16xi1>
      %reduce_sum3A_602 = tpu.scan <sum>, %add3A_596 masked %reduce_sum3A_601 : vector<16xf32>, vector<16xi1> -> vector<16xf32>
      %reduce_sum3A_603 = vector.extract %reduce_sum3A_602[15] : f32 from vector<16xf32>
      %broadcast_in_dim3A_604 = vector.broadcast %reduce_sum3A_603 : f32 to vector<16xf32>
      %select_n3A_605 = arith.select %eq3A_599, %broadcast_in_dim3A_604, %select_n3A_561 : vector<16xi1>, vector<16xf32>
      %mul3A_606 = arith.constant 16 : i32
      %mul3A_607 = arith.muli %scan3A_298, %mul3A_606 : i32
      %add3A_608 = arith.constant 7 : i32
      %add3A_609 = arith.addi %mul3A_607, %add3A_608 : i32
      %get3A_610 = arith.index_cast %add3A_609 : i32 to index
      %get3A_611 = arith.constant 0 : index
      %get3A_612 = tpu.vector_load %arg13[%get3A_610, %get3A_611] {strides = array<i32>} : memref<512x64xf32, #tpu.memory_space<vmem>>, vector<16xf32>,
      %get3A_613 = arith.index_cast %add3A_609 : i32 to index
      %get3A_614 = arith.constant 0 : index
      %get3A_615 = tpu.vector_load %arg14[%get3A_613, %get3A_614] {strides = array<i32>} : memref<512x64xf32, #tpu.memory_space<vmem>>, vector<16xf32>,
      %mul3A_616 = arith.mulf %get3A_612, %get3A_615 : vector<16xf32>
      %get3A_617 = arith.index_cast %add3A_609 : i32 to index
      %get3A_618 = arith.constant 16 : index
      %get3A_619 = tpu.vector_load %arg13[%get3A_617, %get3A_618] {strides = array<i32>} : memref<512x64xf32, #tpu.memory_space<vmem>>, vector<16xf32>,
      %get3A_620 = arith.index_cast %add3A_609 : i32 to index
      %get3A_621 = arith.constant 16 : index
      %get3A_622 = tpu.vector_load %arg14[%get3A_620, %get3A_621] {strides = array<i32>} : memref<512x64xf32, #tpu.memory_space<vmem>>, vector<16xf32>,
      %mul3A_623 = arith.mulf %get3A_619, %get3A_622 : vector<16xf32>
      %add3A_624 = arith.addf %mul3A_616, %mul3A_623 : vector<16xf32>
      %get3A_625 = arith.index_cast %add3A_609 : i32 to index
      %get3A_626 = arith.constant 32 : index
      %get3A_627 = tpu.vector_load %arg13[%get3A_625, %get3A_626] {strides = array<i32>} : memref<512x64xf32, #tpu.memory_space<vmem>>, vector<16xf32>,
      %get3A_628 = arith.index_cast %add3A_609 : i32 to index
      %get3A_629 = arith.constant 32 : index
      %get3A_630 = tpu.vector_load %arg14[%get3A_628, %get3A_629] {strides = array<i32>} : memref<512x64xf32, #tpu.memory_space<vmem>>, vector<16xf32>,
      %mul3A_631 = arith.mulf %get3A_627, %get3A_630 : vector<16xf32>
      %add3A_632 = arith.addf %add3A_624, %mul3A_631 : vector<16xf32>
      %get3A_633 = arith.index_cast %add3A_609 : i32 to index
      %get3A_634 = arith.constant 48 : index
      %get3A_635 = tpu.vector_load %arg13[%get3A_633, %get3A_634] {strides = array<i32>} : memref<512x64xf32, #tpu.memory_space<vmem>>, vector<16xf32>,
      %get3A_636 = arith.index_cast %add3A_609 : i32 to index
      %get3A_637 = arith.constant 48 : index
      %get3A_638 = tpu.vector_load %arg14[%get3A_636, %get3A_637] {strides = array<i32>} : memref<512x64xf32, #tpu.memory_space<vmem>>, vector<16xf32>,
      %mul3A_639 = arith.mulf %get3A_635, %get3A_638 : vector<16xf32>
      %add3A_640 = arith.addf %add3A_632, %mul3A_639 : vector<16xf32>
      %eq3A_641 = arith.constant 7 : i32
      %eq3A_642 = vector.broadcast %eq3A_641 : i32 to vector<16xi32>
      %eq3A_643 = arith.cmpi eq, %iota3A, %eq3A_642 : vector<16xi32>
      %reduce_sum3A_644 = arith.constant true
      %reduce_sum3A_645 = vector.broadcast %reduce_sum3A_644 : i1 to vector<16xi1>
      %reduce_sum3A_646 = tpu.scan <sum>, %add3A_640 masked %reduce_sum3A_645 : vector<16xf32>, vector<16xi1> -> vector<16xf32>
      %reduce_sum3A_647 = vector.extract %reduce_sum3A_646[15] : f32 from vector<16xf32>
      %broadcast_in_dim3A_648 = vector.broadcast %reduce_sum3A_647 : f32 to vector<16xf32>
      %select_n3A_649 = arith.select %eq3A_643, %broadcast_in_dim3A_648, %select_n3A_605 : vector<16xi1>, vector<16xf32>
      %mul3A_650 = arith.constant 16 : i32
      %mul3A_651 = arith.muli %scan3A_298, %mul3A_650 : i32
      %add3A_652 = arith.constant 8 : i32
      %add3A_653 = arith.addi %mul3A_651, %add3A_652 : i32
      %get3A_654 = arith.index_cast %add3A_653 : i32 to index
      %get3A_655 = arith.constant 0 : index
      %get3A_656 = tpu.vector_load %arg13[%get3A_654, %get3A_655] {strides = array<i32>} : memref<512x64xf32, #tpu.memory_space<vmem>>, vector<16xf32>,
      %get3A_657 = arith.index_cast %add3A_653 : i32 to index
      %get3A_658 = arith.constant 0 : index
      %get3A_659 = tpu.vector_load %arg14[%get3A_657, %get3A_658] {strides = array<i32>} : memref<512x64xf32, #tpu.memory_space<vmem>>, vector<16xf32>,
      %mul3A_660 = arith.mulf %get3A_656, %get3A_659 : vector<16xf32>
      %get3A_661 = arith.index_cast %add3A_653 : i32 to index
      %get3A_662 = arith.constant 16 : index
      %get3A_663 = tpu.vector_load %arg13[%get3A_661, %get3A_662] {strides = array<i32>} : memref<512x64xf32, #tpu.memory_space<vmem>>, vector<16xf32>,
      %get3A_664 = arith.index_cast %add3A_653 : i32 to index
      %get3A_665 = arith.constant 16 : index
      %get3A_666 = tpu.vector_load %arg14[%get3A_664, %get3A_665] {strides = array<i32>} : memref<512x64xf32, #tpu.memory_space<vmem>>, vector<16xf32>,
      %mul3A_667 = arith.mulf %get3A_663, %get3A_666 : vector<16xf32>
      %add3A_668 = arith.addf %mul3A_660, %mul3A_667 : vector<16xf32>
      %get3A_669 = arith.index_cast %add3A_653 : i32 to index
      %get3A_670 = arith.constant 32 : index
      %get3A_671 = tpu.vector_load %arg13[%get3A_669, %get3A_670] {strides = array<i32>} : memref<512x64xf32, #tpu.memory_space<vmem>>, vector<16xf32>,
      %get3A_672 = arith.index_cast %add3A_653 : i32 to index
      %get3A_673 = arith.constant 32 : index
      %get3A_674 = tpu.vector_load %arg14[%get3A_672, %get3A_673] {strides = array<i32>} : memref<512x64xf32, #tpu.memory_space<vmem>>, vector<16xf32>,
      %mul3A_675 = arith.mulf %get3A_671, %get3A_674 : vector<16xf32>
      %add3A_676 = arith.addf %add3A_668, %mul3A_675 : vector<16xf32>
      %get3A_677 = arith.index_cast %add3A_653 : i32 to index
      %get3A_678 = arith.constant 48 : index
      %get3A_679 = tpu.vector_load %arg13[%get3A_677, %get3A_678] {strides = array<i32>} : memref<512x64xf32, #tpu.memory_space<vmem>>, vector<16xf32>,
      %get3A_680 = arith.index_cast %add3A_653 : i32 to index
      %get3A_681 = arith.constant 48 : index
      %get3A_682 = tpu.vector_load %arg14[%get3A_680, %get3A_681] {strides = array<i32>} : memref<512x64xf32, #tpu.memory_space<vmem>>, vector<16xf32>,
      %mul3A_683 = arith.mulf %get3A_679, %get3A_682 : vector<16xf32>
      %add3A_684 = arith.addf %add3A_676, %mul3A_683 : vector<16xf32>
      %eq3A_685 = arith.constant 8 : i32
      %eq3A_686 = vector.broadcast %eq3A_685 : i32 to vector<16xi32>
      %eq3A_687 = arith.cmpi eq, %iota3A, %eq3A_686 : vector<16xi32>
      %reduce_sum3A_688 = arith.constant true
      %reduce_sum3A_689 = vector.broadcast %reduce_sum3A_688 : i1 to vector<16xi1>
      %reduce_sum3A_690 = tpu.scan <sum>, %add3A_684 masked %reduce_sum3A_689 : vector<16xf32>, vector<16xi1> -> vector<16xf32>
      %reduce_sum3A_691 = vector.extract %reduce_sum3A_690[15] : f32 from vector<16xf32>
      %broadcast_in_dim3A_692 = vector.broadcast %reduce_sum3A_691 : f32 to vector<16xf32>
      %select_n3A_693 = arith.select %eq3A_687, %broadcast_in_dim3A_692, %select_n3A_649 : vector<16xi1>, vector<16xf32>
      %mul3A_694 = arith.constant 16 : i32
      %mul3A_695 = arith.muli %scan3A_298, %mul3A_694 : i32
      %add3A_696 = arith.constant 9 : i32
      %add3A_697 = arith.addi %mul3A_695, %add3A_696 : i32
      %get3A_698 = arith.index_cast %add3A_697 : i32 to index
      %get3A_699 = arith.constant 0 : index
      %get3A_700 = tpu.vector_load %arg13[%get3A_698, %get3A_699] {strides = array<i32>} : memref<512x64xf32, #tpu.memory_space<vmem>>, vector<16xf32>,
      %get3A_701 = arith.index_cast %add3A_697 : i32 to index
      %get3A_702 = arith.constant 0 : index
      %get3A_703 = tpu.vector_load %arg14[%get3A_701, %get3A_702] {strides = array<i32>} : memref<512x64xf32, #tpu.memory_space<vmem>>, vector<16xf32>,
      %mul3A_704 = arith.mulf %get3A_700, %get3A_703 : vector<16xf32>
      %get3A_705 = arith.index_cast %add3A_697 : i32 to index
      %get3A_706 = arith.constant 16 : index
      %get3A_707 = tpu.vector_load %arg13[%get3A_705, %get3A_706] {strides = array<i32>} : memref<512x64xf32, #tpu.memory_space<vmem>>, vector<16xf32>,
      %get3A_708 = arith.index_cast %add3A_697 : i32 to index
      %get3A_709 = arith.constant 16 : index
      %get3A_710 = tpu.vector_load %arg14[%get3A_708, %get3A_709] {strides = array<i32>} : memref<512x64xf32, #tpu.memory_space<vmem>>, vector<16xf32>,
      %mul3A_711 = arith.mulf %get3A_707, %get3A_710 : vector<16xf32>
      %add3A_712 = arith.addf %mul3A_704, %mul3A_711 : vector<16xf32>
      %get3A_713 = arith.index_cast %add3A_697 : i32 to index
      %get3A_714 = arith.constant 32 : index
      %get3A_715 = tpu.vector_load %arg13[%get3A_713, %get3A_714] {strides = array<i32>} : memref<512x64xf32, #tpu.memory_space<vmem>>, vector<16xf32>,
      %get3A_716 = arith.index_cast %add3A_697 : i32 to index
      %get3A_717 = arith.constant 32 : index
      %get3A_718 = tpu.vector_load %arg14[%get3A_716, %get3A_717] {strides = array<i32>} : memref<512x64xf32, #tpu.memory_space<vmem>>, vector<16xf32>,
      %mul3A_719 = arith.mulf %get3A_715, %get3A_718 : vector<16xf32>
      %add3A_720 = arith.addf %add3A_712, %mul3A_719 : vector<16xf32>
      %get3A_721 = arith.index_cast %add3A_697 : i32 to index
      %get3A_722 = arith.constant 48 : index
      %get3A_723 = tpu.vector_load %arg13[%get3A_721, %get3A_722] {strides = array<i32>} : memref<512x64xf32, #tpu.memory_space<vmem>>, vector<16xf32>,
      %get3A_724 = arith.index_cast %add3A_697 : i32 to index
      %get3A_725 = arith.constant 48 : index
      %get3A_726 = tpu.vector_load %arg14[%get3A_724, %get3A_725] {strides = array<i32>} : memref<512x64xf32, #tpu.memory_space<vmem>>, vector<16xf32>,
      %mul3A_727 = arith.mulf %get3A_723, %get3A_726 : vector<16xf32>
      %add3A_728 = arith.addf %add3A_720, %mul3A_727 : vector<16xf32>
      %eq3A_729 = arith.constant 9 : i32
      %eq3A_730 = vector.broadcast %eq3A_729 : i32 to vector<16xi32>
      %eq3A_731 = arith.cmpi eq, %iota3A, %eq3A_730 : vector<16xi32>
      %reduce_sum3A_732 = arith.constant true
      %reduce_sum3A_733 = vector.broadcast %reduce_sum3A_732 : i1 to vector<16xi1>
      %reduce_sum3A_734 = tpu.scan <sum>, %add3A_728 masked %reduce_sum3A_733 : vector<16xf32>, vector<16xi1> -> vector<16xf32>
      %reduce_sum3A_735 = vector.extract %reduce_sum3A_734[15] : f32 from vector<16xf32>
      %broadcast_in_dim3A_736 = vector.broadcast %reduce_sum3A_735 : f32 to vector<16xf32>
      %select_n3A_737 = arith.select %eq3A_731, %broadcast_in_dim3A_736, %select_n3A_693 : vector<16xi1>, vector<16xf32>
      %mul3A_738 = arith.constant 16 : i32
      %mul3A_739 = arith.muli %scan3A_298, %mul3A_738 : i32
      %add3A_740 = arith.constant 10 : i32
      %add3A_741 = arith.addi %mul3A_739, %add3A_740 : i32
      %get3A_742 = arith.index_cast %add3A_741 : i32 to index
      %get3A_743 = arith.constant 0 : index
      %get3A_744 = tpu.vector_load %arg13[%get3A_742, %get3A_743] {strides = array<i32>} : memref<512x64xf32, #tpu.memory_space<vmem>>, vector<16xf32>,
      %get3A_745 = arith.index_cast %add3A_741 : i32 to index
      %get3A_746 = arith.constant 0 : index
      %get3A_747 = tpu.vector_load %arg14[%get3A_745, %get3A_746] {strides = array<i32>} : memref<512x64xf32, #tpu.memory_space<vmem>>, vector<16xf32>,
      %mul3A_748 = arith.mulf %get3A_744, %get3A_747 : vector<16xf32>
      %get3A_749 = arith.index_cast %add3A_741 : i32 to index
      %get3A_750 = arith.constant 16 : index
      %get3A_751 = tpu.vector_load %arg13[%get3A_749, %get3A_750] {strides = array<i32>} : memref<512x64xf32, #tpu.memory_space<vmem>>, vector<16xf32>,
      %get3A_752 = arith.index_cast %add3A_741 : i32 to index
      %get3A_753 = arith.constant 16 : index
      %get3A_754 = tpu.vector_load %arg14[%get3A_752, %get3A_753] {strides = array<i32>} : memref<512x64xf32, #tpu.memory_space<vmem>>, vector<16xf32>,
      %mul3A_755 = arith.mulf %get3A_751, %get3A_754 : vector<16xf32>
      %add3A_756 = arith.addf %mul3A_748, %mul3A_755 : vector<16xf32>
      %get3A_757 = arith.index_cast %add3A_741 : i32 to index
      %get3A_758 = arith.constant 32 : index
      %get3A_759 = tpu.vector_load %arg13[%get3A_757, %get3A_758] {strides = array<i32>} : memref<512x64xf32, #tpu.memory_space<vmem>>, vector<16xf32>,
      %get3A_760 = arith.index_cast %add3A_741 : i32 to index
      %get3A_761 = arith.constant 32 : index
      %get3A_762 = tpu.vector_load %arg14[%get3A_760, %get3A_761] {strides = array<i32>} : memref<512x64xf32, #tpu.memory_space<vmem>>, vector<16xf32>,
      %mul3A_763 = arith.mulf %get3A_759, %get3A_762 : vector<16xf32>
      %add3A_764 = arith.addf %add3A_756, %mul3A_763 : vector<16xf32>
      %get3A_765 = arith.index_cast %add3A_741 : i32 to index
      %get3A_766 = arith.constant 48 : index
      %get3A_767 = tpu.vector_load %arg13[%get3A_765, %get3A_766] {strides = array<i32>} : memref<512x64xf32, #tpu.memory_space<vmem>>, vector<16xf32>,
      %get3A_768 = arith.index_cast %add3A_741 : i32 to index
      %get3A_769 = arith.constant 48 : index
      %get3A_770 = tpu.vector_load %arg14[%get3A_768, %get3A_769] {strides = array<i32>} : memref<512x64xf32, #tpu.memory_space<vmem>>, vector<16xf32>,
      %mul3A_771 = arith.mulf %get3A_767, %get3A_770 : vector<16xf32>
      %add3A_772 = arith.addf %add3A_764, %mul3A_771 : vector<16xf32>
      %eq3A_773 = arith.constant 10 : i32
      %eq3A_774 = vector.broadcast %eq3A_773 : i32 to vector<16xi32>
      %eq3A_775 = arith.cmpi eq, %iota3A, %eq3A_774 : vector<16xi32>
      %reduce_sum3A_776 = arith.constant true
      %reduce_sum3A_777 = vector.broadcast %reduce_sum3A_776 : i1 to vector<16xi1>
      %reduce_sum3A_778 = tpu.scan <sum>, %add3A_772 masked %reduce_sum3A_777 : vector<16xf32>, vector<16xi1> -> vector<16xf32>
      %reduce_sum3A_779 = vector.extract %reduce_sum3A_778[15] : f32 from vector<16xf32>
      %broadcast_in_dim3A_780 = vector.broadcast %reduce_sum3A_779 : f32 to vector<16xf32>
      %select_n3A_781 = arith.select %eq3A_775, %broadcast_in_dim3A_780, %select_n3A_737 : vector<16xi1>, vector<16xf32>
      %mul3A_782 = arith.constant 16 : i32
      %mul3A_783 = arith.muli %scan3A_298, %mul3A_782 : i32
      %add3A_784 = arith.constant 11 : i32
      %add3A_785 = arith.addi %mul3A_783, %add3A_784 : i32
      %get3A_786 = arith.index_cast %add3A_785 : i32 to index
      %get3A_787 = arith.constant 0 : index
      %get3A_788 = tpu.vector_load %arg13[%get3A_786, %get3A_787] {strides = array<i32>} : memref<512x64xf32, #tpu.memory_space<vmem>>, vector<16xf32>,
      %get3A_789 = arith.index_cast %add3A_785 : i32 to index
      %get3A_790 = arith.constant 0 : index
      %get3A_791 = tpu.vector_load %arg14[%get3A_789, %get3A_790] {strides = array<i32>} : memref<512x64xf32, #tpu.memory_space<vmem>>, vector<16xf32>,
      %mul3A_792 = arith.mulf %get3A_788, %get3A_791 : vector<16xf32>
      %get3A_793 = arith.index_cast %add3A_785 : i32 to index
      %get3A_794 = arith.constant 16 : index
      %get3A_795 = tpu.vector_load %arg13[%get3A_793, %get3A_794] {strides = array<i32>} : memref<512x64xf32, #tpu.memory_space<vmem>>, vector<16xf32>,
      %get3A_796 = arith.index_cast %add3A_785 : i32 to index
      %get3A_797 = arith.constant 16 : index
      %get3A_798 = tpu.vector_load %arg14[%get3A_796, %get3A_797] {strides = array<i32>} : memref<512x64xf32, #tpu.memory_space<vmem>>, vector<16xf32>,
      %mul3A_799 = arith.mulf %get3A_795, %get3A_798 : vector<16xf32>
      %add3A_800 = arith.addf %mul3A_792, %mul3A_799 : vector<16xf32>
      %get3A_801 = arith.index_cast %add3A_785 : i32 to index
      %get3A_802 = arith.constant 32 : index
      %get3A_803 = tpu.vector_load %arg13[%get3A_801, %get3A_802] {strides = array<i32>} : memref<512x64xf32, #tpu.memory_space<vmem>>, vector<16xf32>,
      %get3A_804 = arith.index_cast %add3A_785 : i32 to index
      %get3A_805 = arith.constant 32 : index
      %get3A_806 = tpu.vector_load %arg14[%get3A_804, %get3A_805] {strides = array<i32>} : memref<512x64xf32, #tpu.memory_space<vmem>>, vector<16xf32>,
      %mul3A_807 = arith.mulf %get3A_803, %get3A_806 : vector<16xf32>
      %add3A_808 = arith.addf %add3A_800, %mul3A_807 : vector<16xf32>
      %get3A_809 = arith.index_cast %add3A_785 : i32 to index
      %get3A_810 = arith.constant 48 : index
      %get3A_811 = tpu.vector_load %arg13[%get3A_809, %get3A_810] {strides = array<i32>} : memref<512x64xf32, #tpu.memory_space<vmem>>, vector<16xf32>,
      %get3A_812 = arith.index_cast %add3A_785 : i32 to index
      %get3A_813 = arith.constant 48 : index
      %get3A_814 = tpu.vector_load %arg14[%get3A_812, %get3A_813] {strides = array<i32>} : memref<512x64xf32, #tpu.memory_space<vmem>>, vector<16xf32>,
      %mul3A_815 = arith.mulf %get3A_811, %get3A_814 : vector<16xf32>
      %add3A_816 = arith.addf %add3A_808, %mul3A_815 : vector<16xf32>
      %eq3A_817 = arith.constant 11 : i32
      %eq3A_818 = vector.broadcast %eq3A_817 : i32 to vector<16xi32>
      %eq3A_819 = arith.cmpi eq, %iota3A, %eq3A_818 : vector<16xi32>
      %reduce_sum3A_820 = arith.constant true
      %reduce_sum3A_821 = vector.broadcast %reduce_sum3A_820 : i1 to vector<16xi1>
      %reduce_sum3A_822 = tpu.scan <sum>, %add3A_816 masked %reduce_sum3A_821 : vector<16xf32>, vector<16xi1> -> vector<16xf32>
      %reduce_sum3A_823 = vector.extract %reduce_sum3A_822[15] : f32 from vector<16xf32>
      %broadcast_in_dim3A_824 = vector.broadcast %reduce_sum3A_823 : f32 to vector<16xf32>
      %select_n3A_825 = arith.select %eq3A_819, %broadcast_in_dim3A_824, %select_n3A_781 : vector<16xi1>, vector<16xf32>
      %mul3A_826 = arith.constant 16 : i32
      %mul3A_827 = arith.muli %scan3A_298, %mul3A_826 : i32
      %add3A_828 = arith.constant 12 : i32
      %add3A_829 = arith.addi %mul3A_827, %add3A_828 : i32
      %get3A_830 = arith.index_cast %add3A_829 : i32 to index
      %get3A_831 = arith.constant 0 : index
      %get3A_832 = tpu.vector_load %arg13[%get3A_830, %get3A_831] {strides = array<i32>} : memref<512x64xf32, #tpu.memory_space<vmem>>, vector<16xf32>,
      %get3A_833 = arith.index_cast %add3A_829 : i32 to index
      %get3A_834 = arith.constant 0 : index
      %get3A_835 = tpu.vector_load %arg14[%get3A_833, %get3A_834] {strides = array<i32>} : memref<512x64xf32, #tpu.memory_space<vmem>>, vector<16xf32>,
      %mul3A_836 = arith.mulf %get3A_832, %get3A_835 : vector<16xf32>
      %get3A_837 = arith.index_cast %add3A_829 : i32 to index
      %get3A_838 = arith.constant 16 : index
      %get3A_839 = tpu.vector_load %arg13[%get3A_837, %get3A_838] {strides = array<i32>} : memref<512x64xf32, #tpu.memory_space<vmem>>, vector<16xf32>,
      %get3A_840 = arith.index_cast %add3A_829 : i32 to index
      %get3A_841 = arith.constant 16 : index
      %get3A_842 = tpu.vector_load %arg14[%get3A_840, %get3A_841] {strides = array<i32>} : memref<512x64xf32, #tpu.memory_space<vmem>>, vector<16xf32>,
      %mul3A_843 = arith.mulf %get3A_839, %get3A_842 : vector<16xf32>
      %add3A_844 = arith.addf %mul3A_836, %mul3A_843 : vector<16xf32>
      %get3A_845 = arith.index_cast %add3A_829 : i32 to index
      %get3A_846 = arith.constant 32 : index
      %get3A_847 = tpu.vector_load %arg13[%get3A_845, %get3A_846] {strides = array<i32>} : memref<512x64xf32, #tpu.memory_space<vmem>>, vector<16xf32>,
      %get3A_848 = arith.index_cast %add3A_829 : i32 to index
      %get3A_849 = arith.constant 32 : index
      %get3A_850 = tpu.vector_load %arg14[%get3A_848, %get3A_849] {strides = array<i32>} : memref<512x64xf32, #tpu.memory_space<vmem>>, vector<16xf32>,
      %mul3A_851 = arith.mulf %get3A_847, %get3A_850 : vector<16xf32>
      %add3A_852 = arith.addf %add3A_844, %mul3A_851 : vector<16xf32>
      %get3A_853 = arith.index_cast %add3A_829 : i32 to index
      %get3A_854 = arith.constant 48 : index
      %get3A_855 = tpu.vector_load %arg13[%get3A_853, %get3A_854] {strides = array<i32>} : memref<512x64xf32, #tpu.memory_space<vmem>>, vector<16xf32>,
      %get3A_856 = arith.index_cast %add3A_829 : i32 to index
      %get3A_857 = arith.constant 48 : index
      %get3A_858 = tpu.vector_load %arg14[%get3A_856, %get3A_857] {strides = array<i32>} : memref<512x64xf32, #tpu.memory_space<vmem>>, vector<16xf32>,
      %mul3A_859 = arith.mulf %get3A_855, %get3A_858 : vector<16xf32>
      %add3A_860 = arith.addf %add3A_852, %mul3A_859 : vector<16xf32>
      %eq3A_861 = arith.constant 12 : i32
      %eq3A_862 = vector.broadcast %eq3A_861 : i32 to vector<16xi32>
      %eq3A_863 = arith.cmpi eq, %iota3A, %eq3A_862 : vector<16xi32>
      %reduce_sum3A_864 = arith.constant true
      %reduce_sum3A_865 = vector.broadcast %reduce_sum3A_864 : i1 to vector<16xi1>
      %reduce_sum3A_866 = tpu.scan <sum>, %add3A_860 masked %reduce_sum3A_865 : vector<16xf32>, vector<16xi1> -> vector<16xf32>
      %reduce_sum3A_867 = vector.extract %reduce_sum3A_866[15] : f32 from vector<16xf32>
      %broadcast_in_dim3A_868 = vector.broadcast %reduce_sum3A_867 : f32 to vector<16xf32>
      %select_n3A_869 = arith.select %eq3A_863, %broadcast_in_dim3A_868, %select_n3A_825 : vector<16xi1>, vector<16xf32>
      %mul3A_870 = arith.constant 16 : i32
      %mul3A_871 = arith.muli %scan3A_298, %mul3A_870 : i32
      %add3A_872 = arith.constant 13 : i32
      %add3A_873 = arith.addi %mul3A_871, %add3A_872 : i32
      %get3A_874 = arith.index_cast %add3A_873 : i32 to index
      %get3A_875 = arith.constant 0 : index
      %get3A_876 = tpu.vector_load %arg13[%get3A_874, %get3A_875] {strides = array<i32>} : memref<512x64xf32, #tpu.memory_space<vmem>>, vector<16xf32>,
      %get3A_877 = arith.index_cast %add3A_873 : i32 to index
      %get3A_878 = arith.constant 0 : index
      %get3A_879 = tpu.vector_load %arg14[%get3A_877, %get3A_878] {strides = array<i32>} : memref<512x64xf32, #tpu.memory_space<vmem>>, vector<16xf32>,
      %mul3A_880 = arith.mulf %get3A_876, %get3A_879 : vector<16xf32>
      %get3A_881 = arith.index_cast %add3A_873 : i32 to index
      %get3A_882 = arith.constant 16 : index
      %get3A_883 = tpu.vector_load %arg13[%get3A_881, %get3A_882] {strides = array<i32>} : memref<512x64xf32, #tpu.memory_space<vmem>>, vector<16xf32>,
      %get3A_884 = arith.index_cast %add3A_873 : i32 to index
      %get3A_885 = arith.constant 16 : index
      %get3A_886 = tpu.vector_load %arg14[%get3A_884, %get3A_885] {strides = array<i32>} : memref<512x64xf32, #tpu.memory_space<vmem>>, vector<16xf32>,
      %mul3A_887 = arith.mulf %get3A_883, %get3A_886 : vector<16xf32>
      %add3A_888 = arith.addf %mul3A_880, %mul3A_887 : vector<16xf32>
      %get3A_889 = arith.index_cast %add3A_873 : i32 to index
      %get3A_890 = arith.constant 32 : index
      %get3A_891 = tpu.vector_load %arg13[%get3A_889, %get3A_890] {strides = array<i32>} : memref<512x64xf32, #tpu.memory_space<vmem>>, vector<16xf32>,
      %get3A_892 = arith.index_cast %add3A_873 : i32 to index
      %get3A_893 = arith.constant 32 : index
      %get3A_894 = tpu.vector_load %arg14[%get3A_892, %get3A_893] {strides = array<i32>} : memref<512x64xf32, #tpu.memory_space<vmem>>, vector<16xf32>,
      %mul3A_895 = arith.mulf %get3A_891, %get3A_894 : vector<16xf32>
      %add3A_896 = arith.addf %add3A_888, %mul3A_895 : vector<16xf32>
      %get3A_897 = arith.index_cast %add3A_873 : i32 to index
      %get3A_898 = arith.constant 48 : index
      %get3A_899 = tpu.vector_load %arg13[%get3A_897, %get3A_898] {strides = array<i32>} : memref<512x64xf32, #tpu.memory_space<vmem>>, vector<16xf32>,
      %get3A_900 = arith.index_cast %add3A_873 : i32 to index
      %get3A_901 = arith.constant 48 : index
      %get3A_902 = tpu.vector_load %arg14[%get3A_900, %get3A_901] {strides = array<i32>} : memref<512x64xf32, #tpu.memory_space<vmem>>, vector<16xf32>,
      %mul3A_903 = arith.mulf %get3A_899, %get3A_902 : vector<16xf32>
      %add3A_904 = arith.addf %add3A_896, %mul3A_903 : vector<16xf32>
      %eq3A_905 = arith.constant 13 : i32
      %eq3A_906 = vector.broadcast %eq3A_905 : i32 to vector<16xi32>
      %eq3A_907 = arith.cmpi eq, %iota3A, %eq3A_906 : vector<16xi32>
      %reduce_sum3A_908 = arith.constant true
      %reduce_sum3A_909 = vector.broadcast %reduce_sum3A_908 : i1 to vector<16xi1>
      %reduce_sum3A_910 = tpu.scan <sum>, %add3A_904 masked %reduce_sum3A_909 : vector<16xf32>, vector<16xi1> -> vector<16xf32>
      %reduce_sum3A_911 = vector.extract %reduce_sum3A_910[15] : f32 from vector<16xf32>
      %broadcast_in_dim3A_912 = vector.broadcast %reduce_sum3A_911 : f32 to vector<16xf32>
      %select_n3A_913 = arith.select %eq3A_907, %broadcast_in_dim3A_912, %select_n3A_869 : vector<16xi1>, vector<16xf32>
      %mul3A_914 = arith.constant 16 : i32
      %mul3A_915 = arith.muli %scan3A_298, %mul3A_914 : i32
      %add3A_916 = arith.constant 14 : i32
      %add3A_917 = arith.addi %mul3A_915, %add3A_916 : i32
      %get3A_918 = arith.index_cast %add3A_917 : i32 to index
      %get3A_919 = arith.constant 0 : index
      %get3A_920 = tpu.vector_load %arg13[%get3A_918, %get3A_919] {strides = array<i32>} : memref<512x64xf32, #tpu.memory_space<vmem>>, vector<16xf32>,
      %get3A_921 = arith.index_cast %add3A_917 : i32 to index
      %get3A_922 = arith.constant 0 : index
      %get3A_923 = tpu.vector_load %arg14[%get3A_921, %get3A_922] {strides = array<i32>} : memref<512x64xf32, #tpu.memory_space<vmem>>, vector<16xf32>,
      %mul3A_924 = arith.mulf %get3A_920, %get3A_923 : vector<16xf32>
      %get3A_925 = arith.index_cast %add3A_917 : i32 to index
      %get3A_926 = arith.constant 16 : index
      %get3A_927 = tpu.vector_load %arg13[%get3A_925, %get3A_926] {strides = array<i32>} : memref<512x64xf32, #tpu.memory_space<vmem>>, vector<16xf32>,
      %get3A_928 = arith.index_cast %add3A_917 : i32 to index
      %get3A_929 = arith.constant 16 : index
      %get3A_930 = tpu.vector_load %arg14[%get3A_928, %get3A_929] {strides = array<i32>} : memref<512x64xf32, #tpu.memory_space<vmem>>, vector<16xf32>,
      %mul3A_931 = arith.mulf %get3A_927, %get3A_930 : vector<16xf32>
      %add3A_932 = arith.addf %mul3A_924, %mul3A_931 : vector<16xf32>
      %get3A_933 = arith.index_cast %add3A_917 : i32 to index
      %get3A_934 = arith.constant 32 : index
      %get3A_935 = tpu.vector_load %arg13[%get3A_933, %get3A_934] {strides = array<i32>} : memref<512x64xf32, #tpu.memory_space<vmem>>, vector<16xf32>,
      %get3A_936 = arith.index_cast %add3A_917 : i32 to index
      %get3A_937 = arith.constant 32 : index
      %get3A_938 = tpu.vector_load %arg14[%get3A_936, %get3A_937] {strides = array<i32>} : memref<512x64xf32, #tpu.memory_space<vmem>>, vector<16xf32>,
      %mul3A_939 = arith.mulf %get3A_935, %get3A_938 : vector<16xf32>
      %add3A_940 = arith.addf %add3A_932, %mul3A_939 : vector<16xf32>
      %get3A_941 = arith.index_cast %add3A_917 : i32 to index
      %get3A_942 = arith.constant 48 : index
      %get3A_943 = tpu.vector_load %arg13[%get3A_941, %get3A_942] {strides = array<i32>} : memref<512x64xf32, #tpu.memory_space<vmem>>, vector<16xf32>,
      %get3A_944 = arith.index_cast %add3A_917 : i32 to index
      %get3A_945 = arith.constant 48 : index
      %get3A_946 = tpu.vector_load %arg14[%get3A_944, %get3A_945] {strides = array<i32>} : memref<512x64xf32, #tpu.memory_space<vmem>>, vector<16xf32>,
      %mul3A_947 = arith.mulf %get3A_943, %get3A_946 : vector<16xf32>
      %add3A_948 = arith.addf %add3A_940, %mul3A_947 : vector<16xf32>
      %eq3A_949 = arith.constant 14 : i32
      %eq3A_950 = vector.broadcast %eq3A_949 : i32 to vector<16xi32>
      %eq3A_951 = arith.cmpi eq, %iota3A, %eq3A_950 : vector<16xi32>
      %reduce_sum3A_952 = arith.constant true
      %reduce_sum3A_953 = vector.broadcast %reduce_sum3A_952 : i1 to vector<16xi1>
      %reduce_sum3A_954 = tpu.scan <sum>, %add3A_948 masked %reduce_sum3A_953 : vector<16xf32>, vector<16xi1> -> vector<16xf32>
      %reduce_sum3A_955 = vector.extract %reduce_sum3A_954[15] : f32 from vector<16xf32>
      %broadcast_in_dim3A_956 = vector.broadcast %reduce_sum3A_955 : f32 to vector<16xf32>
      %select_n3A_957 = arith.select %eq3A_951, %broadcast_in_dim3A_956, %select_n3A_913 : vector<16xi1>, vector<16xf32>
      %mul3A_958 = arith.constant 16 : i32
      %mul3A_959 = arith.muli %scan3A_298, %mul3A_958 : i32
      %add3A_960 = arith.constant 15 : i32
      %add3A_961 = arith.addi %mul3A_959, %add3A_960 : i32
      %get3A_962 = arith.index_cast %add3A_961 : i32 to index
      %get3A_963 = arith.constant 0 : index
      %get3A_964 = tpu.vector_load %arg13[%get3A_962, %get3A_963] {strides = array<i32>} : memref<512x64xf32, #tpu.memory_space<vmem>>, vector<16xf32>,
      %get3A_965 = arith.index_cast %add3A_961 : i32 to index
      %get3A_966 = arith.constant 0 : index
      %get3A_967 = tpu.vector_load %arg14[%get3A_965, %get3A_966] {strides = array<i32>} : memref<512x64xf32, #tpu.memory_space<vmem>>, vector<16xf32>,
      %mul3A_968 = arith.mulf %get3A_964, %get3A_967 : vector<16xf32>
      %get3A_969 = arith.index_cast %add3A_961 : i32 to index
      %get3A_970 = arith.constant 16 : index
      %get3A_971 = tpu.vector_load %arg13[%get3A_969, %get3A_970] {strides = array<i32>} : memref<512x64xf32, #tpu.memory_space<vmem>>, vector<16xf32>,
      %get3A_972 = arith.index_cast %add3A_961 : i32 to index
      %get3A_973 = arith.constant 16 : index
      %get3A_974 = tpu.vector_load %arg14[%get3A_972, %get3A_973] {strides = array<i32>} : memref<512x64xf32, #tpu.memory_space<vmem>>, vector<16xf32>,
      %mul3A_975 = arith.mulf %get3A_971, %get3A_974 : vector<16xf32>
      %add3A_976 = arith.addf %mul3A_968, %mul3A_975 : vector<16xf32>
      %get3A_977 = arith.index_cast %add3A_961 : i32 to index
      %get3A_978 = arith.constant 32 : index
      %get3A_979 = tpu.vector_load %arg13[%get3A_977, %get3A_978] {strides = array<i32>} : memref<512x64xf32, #tpu.memory_space<vmem>>, vector<16xf32>,
      %get3A_980 = arith.index_cast %add3A_961 : i32 to index
      %get3A_981 = arith.constant 32 : index
      %get3A_982 = tpu.vector_load %arg14[%get3A_980, %get3A_981] {strides = array<i32>} : memref<512x64xf32, #tpu.memory_space<vmem>>, vector<16xf32>,
      %mul3A_983 = arith.mulf %get3A_979, %get3A_982 : vector<16xf32>
      %add3A_984 = arith.addf %add3A_976, %mul3A_983 : vector<16xf32>
      %get3A_985 = arith.index_cast %add3A_961 : i32 to index
      %get3A_986 = arith.constant 48 : index
      %get3A_987 = tpu.vector_load %arg13[%get3A_985, %get3A_986] {strides = array<i32>} : memref<512x64xf32, #tpu.memory_space<vmem>>, vector<16xf32>,
      %get3A_988 = arith.index_cast %add3A_961 : i32 to index
      %get3A_989 = arith.constant 48 : index
      %get3A_990 = tpu.vector_load %arg14[%get3A_988, %get3A_989] {strides = array<i32>} : memref<512x64xf32, #tpu.memory_space<vmem>>, vector<16xf32>,
      %mul3A_991 = arith.mulf %get3A_987, %get3A_990 : vector<16xf32>
      %add3A_992 = arith.addf %add3A_984, %mul3A_991 : vector<16xf32>
      %eq3A_993 = arith.constant 15 : i32
      %eq3A_994 = vector.broadcast %eq3A_993 : i32 to vector<16xi32>
      %eq3A_995 = arith.cmpi eq, %iota3A, %eq3A_994 : vector<16xi32>
      %reduce_sum3A_996 = arith.constant true
      %reduce_sum3A_997 = vector.broadcast %reduce_sum3A_996 : i1 to vector<16xi1>
      %reduce_sum3A_998 = tpu.scan <sum>, %add3A_992 masked %reduce_sum3A_997 : vector<16xf32>, vector<16xi1> -> vector<16xf32>
      %reduce_sum3A_999 = vector.extract %reduce_sum3A_998[15] : f32 from vector<16xf32>
      %broadcast_in_dim3A_1000 = vector.broadcast %reduce_sum3A_999 : f32 to vector<16xf32>
      %select_n3A_1001 = arith.select %eq3A_995, %broadcast_in_dim3A_1000, %select_n3A_957 : vector<16xi1>, vector<16xf32>
      %mul3A_1002 = arith.constant 16 : i32
      %mul3A_1003 = arith.muli %scan3A_298, %mul3A_1002 : i32
      %get3A_1004 = arith.index_cast %mul3A_1003 : i32 to index
      %get3A_1005 = tpu.vector_load %arg15[%get3A_1004] {strides = array<i32>} : memref<512xf32, #tpu.memory_space<vmem>>, vector<16xf32>,
      %add3A_1006 = arith.addf %select_n3A_1001, %get3A_1005 : vector<16xf32>
      %get3A_1007 = arith.index_cast %mul3A_1003 : i32 to index
      %get3A_1008 = tpu.vector_load %arg16[%get3A_1007] {strides = array<i32>} : memref<512xf32, #tpu.memory_space<vmem>>, vector<16xf32>,
      %add3A_1009 = arith.addf %add3A_1006, %get3A_1008 : vector<16xf32>
      %get3A_1010 = arith.index_cast %mul3A_1003 : i32 to index
      %get3A_1011 = tpu.vector_load %arg17[%get3A_1010] {strides = array<i32>} : memref<512xf32, #tpu.memory_space<vmem>>, vector<16xf32>,
      %sub3A = arith.subf %add3A_1009, %get3A_1011 : vector<16xf32>
      %get3A_1012 = arith.index_cast %mul3A_1003 : i32 to index
      %get3A_1013 = tpu.vector_load %arg18[%get3A_1012] {strides = array<i32>} : memref<512xf32, #tpu.memory_space<vmem>>, vector<16xf32>,
      %mul3A_1014 = arith.mulf %get3A_1013, %sub3A : vector<16xf32>
      %mul3A_1015 = arith.mulf %mul3A_1014, %sub3A : vector<16xf32>
      %add3A_1016 = arith.addf %scan3A_299, %mul3A_1015 : vector<16xf32>
      scf.yield %add3A_1016 : vector<16xf32>
    }
    %scan3A_296 = arith.constant 32 : i32
    %swap3A = arith.constant 0 : index
    %swap3A_297 = tpu.vector_load %arg19[%swap3A] {strides = array<i32>} : memref<16xf32, #tpu.memory_space<vmem>>, vector<16xf32>,
    tpu.vector_store %arg19[%swap3A], %scan3A_295 {strides = array<i32>} : memref<16xf32, #tpu.memory_space<vmem>>, vector<16xf32>,
    "tpu.region"() ({
      %run_scoped3A = tpu.sem_alloc : memref<!tpu.dma_semaphore, #tpu.memory_space<semaphore_mem>>
      %dma_start3A_298 = arith.constant 0 : i32
      %dma_start3A_299 = tpu.memref_slice %arg10[%add3A, %dma_start3A_298] : memref<32x16xf32, #tpu.memory_space<hbm>> -> memref<1x16xf32, #tpu.memory_space<hbm>>
      %dma_start3A_300 = tpu.memref_squeeze %dma_start3A_299 : memref<1x16xf32, #tpu.memory_space<hbm>> -> memref<16xf32, #tpu.memory_space<hbm>>
      %dma_start3A_301 = arith.constant 0 : i32
      %dma_start3A_302 = tpu.memref_slice %arg10[%add3A, %dma_start3A_301] : memref<32x16xf32, #tpu.memory_space<hbm>> -> memref<1x16xf32, #tpu.memory_space<hbm>>
      %dma_start3A_303 = tpu.memref_squeeze %dma_start3A_302 : memref<1x16xf32, #tpu.memory_space<hbm>> -> memref<16xf32, #tpu.memory_space<hbm>>
      tpu.enqueue_dma source(%arg19 : memref<16xf32, #tpu.memory_space<vmem>>) target(%dma_start3A_303 : memref<16xf32, #tpu.memory_space<hbm>>) target_semaphore(%run_scoped3A : memref<!tpu.dma_semaphore, #tpu.memory_space<semaphore_mem>>)
      %dma_wait3A_304 = arith.constant 0 : i32
      %dma_wait3A_305 = tpu.memref_slice %arg10[%add3A, %dma_wait3A_304] : memref<32x16xf32, #tpu.memory_space<hbm>> -> memref<1x16xf32, #tpu.memory_space<hbm>>
      %dma_wait3A_306 = tpu.memref_squeeze %dma_wait3A_305 : memref<1x16xf32, #tpu.memory_space<hbm>> -> memref<16xf32, #tpu.memory_space<hbm>>
      %dma_wait3A_307 = arith.constant 0 : i32
      %dma_wait3A_308 = tpu.memref_slice %arg10[%add3A, %dma_wait3A_307] : memref<32x16xf32, #tpu.memory_space<hbm>> -> memref<1x16xf32, #tpu.memory_space<hbm>>
      %dma_wait3A_309 = tpu.memref_squeeze %dma_wait3A_308 : memref<1x16xf32, #tpu.memory_space<hbm>> -> memref<16xf32, #tpu.memory_space<hbm>>
      tpu.wait_dma2 semaphore(%run_scoped3A : memref<!tpu.dma_semaphore, #tpu.memory_space<semaphore_mem>>) src(%arg19 : memref<16xf32, #tpu.memory_space<vmem>>) dst(%dma_wait3A_309 : memref<16xf32, #tpu.memory_space<hbm>>)
      tpu.yield
    }) : () -> ()
    return
  }
}

</mosaic_0001>

<sc_bundles>
// kernel: _glove_sc.3.cloned.1.call-start
scs
__scs_entry_jumppad:
0x0: {  	(pc) =	sbr.rel $0x88, $3  }
0x1: {  	(tag) =	ssettag $0x0;
	lr =	simm.s32 $0x1  }
0x2: {  	[smem:$0x3F99] =	sst lr;
	_ =	strace $0xD0000000  }
0x3: {  	_ = 	snop  }
0x4: {  	_ = 	snop  }
0x5: {  	_ = 	snop  }
0x6: {  	_ = 	snop  }
0x7: {  	_ = 	snop  }
__scs_overlays_trampoline_lowered:
0x8: {  	[smem:$0x3FA8] =	sst s0  }
0x9: {  	[smem:$0x3FA9] =	sst s1  }
0xa: {  	[smem:$0x3FAA] =	sst s2  }
0xb: {  	[smem:$0x3FAB] =	sst s3  }
0xc: {  	[smem:$0x3FAC] =	sst s4  }
0xd: {  	[smem:$0x3FAD] =	sst s5  }
0xe: {  	[smem:$0x3FAE] =	sst s6  }
0xf: {  	[smem:$0x3FAF] =	sst s7  }
0x10: {  	[smem:$0x3FB0] =	sst s8  }
0x11: {  	[smem:$0x3FB1] =	sst s9;
	s0 =	simm.s32 @!p0 $0x0  }
0x12: {  	s1 =	sld [smem:$0x3F97];
	s0 =	simm.s32 @p0 $0x1  }
0x13: {  	[smem:$0x3FB2] =	sst s0;
	s0 =	simm.s32 @!p1 $0x0  }
0x14: {  	s2 =	sld [smem:$0x3F96];
	s0 =	simm.s32 @p1 $0x1  }
0x15: {  	[smem:$0x3FB3] =	sst s0;
	s0 =	simm.s32 @!p2 $0x0  }
0x16: {  	s3 =	sld [smem:$0x3FDB];
	s0 =	simm.s32 @p2 $0x1  }
0x17: {  	s4 =	simm.s32 $0x1BF5;
	[smem:$0x3FB5] =	sst s0  }
0x18: {  	s0 =	sld [smem:$0x3F98];
	_ =	swait.ge [sflag:s4], $0x0  }
0x19: {  	s7 =	sld [smem:$0x3F99]  }
0x1a: {  	s8 =	sadd.s32 $0xFFFFE003, lr  }
0x1b: {  	s9 =	sadd.s32 $0xFFFFFEF7, lr;
	s5 =	simm.s32 $0xFFFFFFFF;
	p2 =	slt.u32 s8, $0xFFFFF086  }
0x1c: {  	p1 =	slt.u32 s9, $0xF7A;
	s5 =	simm.s32 @!p2 $0x0  }
0x1d: {  	s5 =	simm.s32 @p1 $0x1;
	p0 =	seq.s32 s7, s2  }
0x1e: {  	s7 =	smul.u32 @!p0 $0xF7A, s2;
	p2 =	seq.s32 @!p0 s5, $0x0  }
0x1f: {  	s9 =	smul.u32 $0xF7A, s1;
	s8 =	simm.s32 @!p0 $0x1BF5;
	p2 =	por !p2, p0  }
0x20: {  	[sflag:s8] =	ssyncset.s32 @!p0 $0xFFFFF086;
	s6 =	sadd.s32 @!p0 s3, s7;
	s7 =	simm.s32 @!p0 $0x108  }
0x21: {  	s3 =	sadd.s32 s3, s9;
	s6 =	sadd.s32 @!p0 $0x88, s6;
	s7 =	simm.s32 @p2 $0x1082  }
0x22: {  	[simem:s7], [sflag:s8] =	dma.local @!p0 [hbm:s6], $0xF7A  }
0x23: {  	s9 =	sor.u32 $0xD0000000, s2;
	s6 =	simm.s32 $0x108;
	_ =	swait.ge @!p0 [sflag:s8], $0x0  }
0x24: {  	s3 =	sadd.s32 $0x88, s3;
	s6 =	simm.s32 @!p1 $0x1082;
	[sflag:s4] =	ssyncset.s32 $0xFFFFF086  }
0x25: {  	[simem:s6], [sflag:s4] =	dma.local [hbm:s3], $0xF7A  }
0x26: {  	[smem:$0x3F99] =	sst s1;
	(tag) =	ssettag s2;
	_ =	strace s9  }
0x27: {  	s1 =	sld [smem:$0x3FA9]  }
0x28: {  	s2 =	sld [smem:$0x3FAA]  }
0x29: {  	s4 =	sld [smem:$0x3FAC]  }
0x2a: {  	p0 =	seq.s32 s5, $0x0;
	s5 =	sld [smem:$0x3FAD]  }
0x2b: {  	s6 =	sld [smem:$0x3FAE]  }
0x2c: {  	s7 =	sld [smem:$0x3FAF]  }
0x2d: {  	s3 =	simm.s32 $0x108;
	s8 =	sld [smem:$0x3FB0]  }
0x2e: {  	s3 =	simm.s32 @!p0 $0x1082;
	s9 =	sld [smem:$0x3FB1]  }
0x2f: {  	lr =	sadd.s32 s0, s3;
	s0 =	sld [smem:$0x3FA8]  }
0x30: {  	s3 =	sld [smem:$0x3FAB]  }
0x31: {  	[smem:$0x3FB4] =	sst s10  }
0x32: {  	s10 =	sld [smem:$0x3FB2];
	_ =	sdelay $0x3  }
0x33: {  	p0 =	seq.s32 s10, $0x1;
	s10 =	sld [smem:$0x3FB4];
	_ =	sdelay $0x3  }
0x34: {  	[smem:$0x3FB4] =	sst s10  }
0x35: {  	s10 =	sld [smem:$0x3FB3];
	_ =	sdelay $0x3  }
0x36: {  	p1 =	seq.s32 s10, $0x1;
	s10 =	sld [smem:$0x3FB4];
	_ =	sdelay $0x3  }
0x37: {  	[smem:$0x3FB4] =	sst s10  }
0x38: {  	s10 =	sld [smem:$0x3FB5]  }
0x39: {  	_ = 	snop;
	(pc) =	sbr.ind lr, $3  }
0x3a: {  	_ = 	snop  }
0x3b: {  	_ = 	snop  }
0x3c: {  	p2 =	seq.s32 s10, $0x1;
	s10 =	sld [smem:$0x3FB4]  }
0x3d: {  	_ =	shalt  }
0x3e: {  	_ =	shalt  }
0x3f: {  	_ =	shalt  }
0x40: {  	_ =	shalt  }
0x41: {  	_ =	shalt  }
0x42: {  	_ =	shalt  }
0x43: {  	_ =	shalt  }
0x44: {  	_ =	shalt  }
0x45: {  	_ =	shalt  }
0x46: {  	_ =	shalt  }
0x47: {  	_ =	shalt  }
0x48: {  	_ =	shalt  }
0x49: {  	_ =	shalt  }
0x4a: {  	_ =	shalt  }
0x4b: {  	_ =	shalt  }
0x4c: {  	_ =	shalt  }
0x4d: {  	_ =	shalt  }
0x4e: {  	_ =	shalt  }
0x4f: {  	_ =	shalt  }
0x50: {  	_ =	shalt  }
0x51: {  	_ =	shalt  }
0x52: {  	_ =	shalt  }
0x53: {  	_ =	shalt  }
0x54: {  	_ =	shalt  }
0x55: {  	_ =	shalt  }
0x56: {  	_ =	shalt  }
0x57: {  	_ =	shalt  }
0x58: {  	_ =	shalt  }
0x59: {  	_ =	shalt  }
0x5a: {  	_ =	shalt  }
0x5b: {  	_ =	shalt  }
0x5c: {  	_ =	shalt  }
0x5d: {  	_ =	shalt  }
0x5e: {  	_ =	shalt  }
0x5f: {  	_ =	shalt  }
0x60: {  	_ =	shalt  }
0x61: {  	_ =	shalt  }
0x62: {  	_ =	shalt  }
0x63: {  	_ =	shalt  }
0x64: {  	_ =	shalt  }
0x65: {  	_ =	shalt  }
0x66: {  	_ =	shalt  }
0x67: {  	_ =	shalt  }
0x68: {  	_ =	shalt  }
0x69: {  	_ =	shalt  }
0x6a: {  	_ =	shalt  }
0x6b: {  	_ =	shalt  }
0x6c: {  	_ =	shalt  }
0x6d: {  	_ =	shalt  }
0x6e: {  	_ =	shalt  }
0x6f: {  	_ =	shalt  }
0x70: {  	_ =	shalt  }
0x71: {  	_ =	shalt  }
0x72: {  	_ =	shalt  }
0x73: {  	_ =	shalt  }
0x74: {  	_ =	shalt  }
0x75: {  	_ =	shalt  }
0x76: {  	_ =	shalt  }
0x77: {  	_ =	shalt  }
0x78: {  	_ =	shalt  }
0x79: {  	_ =	shalt  }
0x7a: {  	_ =	shalt  }
0x7b: {  	_ =	shalt  }
0x7c: {  	_ =	shalt  }
0x7d: {  	_ =	shalt  }
0x7e: {  	_ =	shalt  }
0x7f: {  	_ =	shalt  }
0x80: {  	_ =	shalt  }
0x81: {  	_ =	shalt  }
0x82: {  	_ =	shalt  }
0x83: {  	_ =	shalt  }
0x84: {  	_ =	shalt  }
0x85: {  	_ =	shalt  }
0x86: {  	_ =	shalt  }
0x87: {  	_ =	shalt  }
.Lfunc_end0:
.L_simem_size_0:
called_computation_lowered:
.L_overlay_start_0:
0x88: {  	s2 =	sld [smem:$0x3FD9]  }
0x89: {  	s3 =	sld [smem:$0x3FFE];
	_ =	sdelay $0x1  }
0x8a: {  	s1 =	srdreg.scid  }
0x8b: {  	s0 =	sand.u32 $0x1, s1  }
0x8c: {  	s17 =	sshll.u32 s0, $0xA;
	s2 =	sadd.s32 s3, s2  }
0x8d: {  	s2 =	sadd.s32 s2, s17  }
0x8e: {  	[smem:$0x3FC0] =	sst s2  }
0x8f: {  	_ = 	snop  }
0x90: {  	s2 =	sld [smem:$0x3FC9]  }
0x91: {  	s18 =	sld [smem:$0x3FC8]  }
0x92: {  	s4 =	sld [smem:$0x3FC7]  }
0x93: {  	s5 =	sld [smem:$0x3FC6]  }
0x94: {  	s6 =	sld [smem:$0x3FC3]  }
0x95: {  	s7 =	sld [smem:$0x3FC2]  }
0x96: {  	s8 =	sld [smem:$0x3FD0];
	(tm) =	ssettm $0x1  }
0x97: {  	s9 =	sld [smem:$0x3FFB];
	_ =	sdelay $0x3  }
0x98: {  	_ =	strace s9  }
0x99: {  	s9 =	sld [smem:$0x3FFC];
	_ =	sdelay $0x3  }
0x9a: {  	_ =	strace s9  }
0x9b: {  	s9 =	sld [smem:$0x3FFD];
	_ =	sdelay $0x3  }
0x9c: {  	_ =	strace s9  }
0x9d: {  	_ =	strace $0x8FFFFFFF  }
0x9e: {  	s19 =	sld [smem:$0x3FDB];
	_ =	sdelay $0x1  }
0x9f: {  	s10 =	simm.s32 $_scs_section_size  }
0xa0: {  	s11 =	simm.s32 $_size__tile_overlayer_lowered;
	s12 =	simm.s32 $_tile_overlayer_lowered  }
0xa1: {  	s22 =	simm.s32 $0x1BFF;
	s21 =	sshll.u32 s12, $0x1;
	s9 =	sadd.s32 s10, s19  }
0xa2: {  	s13 =	simm.s32 $0x0;
	s20 =	sshll.u32 s11, $0x1;
	s11 =	sadd.s32 s21, s9  }
0xa3: {  	[timem:s13], [sflag:s22] =	dma.local [hbm:s11], s20  }
0xa4: {  	_ =	swait.ge [sflag:s22], s20  }
0xa5: {  	s10 =	ssub.s32 $0x0, s20;
	[sflag:s22] =	ssyncset.done $0x0  }
0xa6: {  	[sflag:s22] =	ssyncadd.s32 s10;
	_ =	sdelay $0x1  }
0xa7: {  	s23 =	simm.s32 $0x1B8B  }
0xa8: {  	_ =	swait.ge [sflag:s23], $0x1  }
0xa9: {  	[sflag:s23] =	ssyncset.done $0x0  }
0xaa: {  	s25 =	simm.s32 $0x1B8E;
	s24 =	sld [smem:$0x3FFE];
	[sflag:s23] =	ssyncadd.s32 $0xFFFFFFFF  }
0xab: {  	s26 =	simm.s32 $execute0_lowered;
	[smem:$0x3FD2] =	sst s25  }
0xac: {  	s11 =	sshll.u32 s26, $0x1;
	_ =	strace $0x80000046;
	[dreg:$0x1] =	wrdreg $0xFFFFFFFF  }
0xad: {  	s28 =	simm.s32 $_size_execute0_lowered;
	s9 =	sadd.s32 s9, s11;
	[dreg:$0x0] =	wrdreg $0x0  }
0xae: {  	s11 =	sshll.u32 s28, $0x1;
	[dreg:$0x2] =	wrdreg s9  }
0xaf: {  	[dreg:$0x3] =	wrdreg s11  }
0xb0: {  	[dreg:$0x4] =	wrdreg $0xC0  }
0xb1: {  	_ =	task [dreg:s13], $0x5FFFF  }
0xb2: {  	[dreg:$0x1] =	wrdreg $0xFFFFFFFF  }
0xb3: {  	[dreg:$0x0] =	wrdreg $0x60  }
0xb4: {  	[dreg:$0x2] =	wrdreg s2  }
0xb5: {  	[dreg:$0x3] =	wrdreg s18  }
0xb6: {  	[dreg:$0x4] =	wrdreg s4  }
0xb7: {  	[dreg:$0x5] =	wrdreg s5  }
0xb8: {  	[dreg:$0x6] =	wrdreg s24  }
0xb9: {  	[dreg:$0x7] =	wrdreg s6  }
0xba: {  	[dreg:$0x8] =	wrdreg s7  }
0xbb: {  	[dreg:$0x9] =	wrdreg s8  }
0xbc: {  	[dreg:$0xa] =	wrdreg $0x9  }
0xbd: {  	_ =	task.clear_ibuf [dreg:s13], $0xBFFFF;
	_ =	strace $0x90000046  }
0xbe: {  	s29 =	simm.s32 $0x9;
	_ =	strace $0x80000048  }
0xbf: {  	_ =	swait.ge [sflag:s29], $0x1  }
0xc0: {  	[sflag:s29] =	ssyncadd.s32 $0xFFFFFFFF  }
0xc1: {  	_ =	strace $0x90000048  }
0xc2: {  	_ =	sfence  }
0xc3: {  	s30 =	sld [smem:$0x0];
	_ =	sdelay $0x2  }
0xc4: {  	s31 =	sshll.u32 s1, $0xD;
	s1 =	sshrl.u32 s1, $0x2  }
0xc5: {  	s3 =	sand.u32 $0x4000, s31;
	s1 =	sadd.s32 s1, s30  }
0xc6: {  	s0 =	sor.u32 s3, s0;
	s1 =	sshll.u32 s1, $0x11  }
0xc7: {  	s0 =	sor.u32 s1, s0  }
0xc8: {  	s0 =	sadd.s32 $0x8F2B, s0  }
0xc9: {  	[sflag:s0] =	ssyncadd.remote.s32 $0x1  }
0xca: {  	_ =	sfence.sel $0xFFFF  }
0xcb: {  	[dreg:$0x0] =	wrdreg $0xFFFFFFFF;
	(pc) =	sbr.abs _section_cstart, $3  }
0xcc: {  	[dreg:$0x1] =	wrdreg $0xFFFFFFFF  }
0xcd: {  	_ =	task.clear_ibuf [dreg:s13], $0x2FFFF;
	_ =	strace $0x9FFFFFFF  }
0xce: {  	(tm) =	ssettm $0x7FFFFFFF  }
0xcf: {  	_ =	shalt  }
tec
execute0_lowered:
.L_overlay_start_1:
0x0: {  	(tag) =	ssettag $0x1  }
0x1: {  	s0 =	rddreg [dreg:$0x0]  }
0x2: {  	s4 =	rddreg [dreg:$0x1]  }
0x3: {  	s9 =	rddreg [dreg:$0x2]  }
0x4: {  	s10 =	rddreg [dreg:$0x3]  }
0x5: {  	s6 =	rddreg [dreg:$0x4]  }
0x6: {  	s1 =	rddreg [dreg:$0x5]  }
0x7: {  	s2 =	rddreg [dreg:$0x6]  }
0x8: {  	s11 =	rddreg [dreg:$0x7]  }
0x9: {  	s3 =	simm.s32 $0x0;
	s5 =	srdreg.scid;
	s13 =	stileid.u32  }
0xa: {  	s17 =	simm.s32 $0x80;
	s23 =	simm.s32 $0x280;
	s28 =	simm.s32 $0x100  }
0xb: {  	s30 =	simm.s32 $0x300;
	s15 =	simm.s32 $0x180;
	s16 =	simm.s32 $0x6400  }
0xc: {  	s18 =	simm.s32 $0x380;
	s19 =	simm.s32 $0xE400;
	s20 =	simm.s32 $0x10580  }
0xd: {  	s21 =	simm.s32 $0x10780;
	s22 =	simm.s32 $0x1;
	s24 =	simm.s32 $0x10C00  }
0xe: {  	s25 =	simm.s32 $0x0;
	[smem:$0x7FF] =	sst s3;
	s5 =	sand.u32 $0x1, s5  }
0xf: {  	_ =	strace $0x80000047;
	s7 =	ssub.s32 $0x2, s5;
	s8 =	sshll.u32 s5, $0x4  }
0x10: {  	vm0 =	vmmov $0x1;
	vm1 =	vmmov $0x3;
	vm2 =	vmmov $0x7;
	s5 =	sadd.s32 $0x188A00, s6;
	s12 =	sshrl.u32 s7, $0x1;
	s13 =	sor.u32 s13, s8  }
0x11: {  	vm3 =	vmmov $0xf;
	vm4 =	vmmov $0x1f;
	vm5 =	vmmov $0x3f;
	s6 =	sadd.s32 $0x24C000, s6;
	s12 =	ssub.s32 s7, s12;
	s14 =	sshll.u32 s13, $0x6  }
0x12: {  	vm6 =	vmmov $0x7f;
	vm7 =	vmmov $0xff;
	vm8 =	vmmov $0x1ff;
	s31 =	sshll.u32 s13, $0x1;
	s13 =	simm.s32 $0x2;
	s7 =	sadd.s32 s0, s14  }
0x13: {  	vm9 =	vmmov $0x3ff;
	vm10 =	vmmov $0x7ff;
	vm11 =	vmmov $0xfff;
	s8 =	sadd.s32 s4, s14;
	s9 =	sadd.s32 s9, s14;
	s10 =	sadd.s32 s10, s14  }
0x14: {  	vm12 =	vmmov $0x1fff;
	vm13 =	vmmov $0x3fff;
	vm14 =	vmmov $0x7fff;
	s11 =	sadd.s32 s11, s31;
	s12 =	smax.u32 s12, $0x1;
	s14 =	simm.s32 $0x200  }
.LBB2_1:
0x15: {  	[tilespmem:s3], [sflag:$0x2] =	stream.linear.gather [hbm4b:s7+s3], $0x200, $0x38;
	[tilespmem:$0x10C10] =	vst v63  }
0x16: {  	_ =	swait.ge [sflag:s13], $0x200  }
0x17: {  	[sflag:s13] =	ssyncset.done $0x0  }
0x18: {  	[sflag:s13] =	ssyncadd.s32 $0xFFFFFE00  }
0x19: {  	[tilespmem:s14], [sflag:$0x2] =	stream.linear.gather [hbm4b:s8+s3], $0x200, $0x38;
	[tilespmem:$0x10C10] =	vst v63  }
0x1a: {  	_ =	swait.ge [sflag:s13], $0x200  }
0x1b: {  	[sflag:s13] =	ssyncset.done $0x0  }
0x1c: {  	s0 =	simm.s32 $0x10800;
	[sflag:s13] =	ssyncadd.s32 $0xFFFFFE00  }
0x1d: {  	[tilespmem:s0], [sflag:$0x2] =	stream.linear.gather [hbm4b:s9+s3], $0x200, $0x38;
	[tilespmem:$0x10C10] =	vst v63  }
0x1e: {  	_ =	swait.ge [sflag:s13], $0x200  }
0x1f: {  	[sflag:s13] =	ssyncset.done $0x0  }
0x20: {  	s26 =	simm.s32 $0x10A00;
	[sflag:s13] =	ssyncadd.s32 $0xFFFFFE00  }
0x21: {  	[tilespmem:s26], [sflag:$0x2] =	stream.linear.gather [hbm4b:s10+s3], $0x200, $0x38;
	[tilespmem:$0x10C10] =	vst v63  }
0x22: {  	_ =	swait.ge [sflag:s13], $0x200  }
0x23: {  	[sflag:s13] =	ssyncset.done $0x0  }
0x24: {  	s4 =	simm.s32 $0x400;
	[sflag:s13] =	ssyncadd.s32 $0xFFFFFE00  }
0x25: {  	[tilespmem:s4], [sflag:$0x1] =	stream.indirect.gather [hbm4b:s5+s17], $0x40, s3, s17, $0xb8;
	[tilespmem:$0x10C10] =	vst v63  }
0x26: {  	s26 =	simm.s32 $0x8400  }
0x27: {  	[tilespmem:s26], [sflag:$0x1] =	stream.indirect.gather [hbm4b:s6+s17], $0x40, s14, s17, $0xb8;
	[tilespmem:$0x10C10] =	vst v63  }
0x28: {  	s4 =	simm.s32 $0x10400  }
0x29: {  	[tilespmem:s4], [sflag:$0x1] =	stream.indirect.gather [hbm4b:s1+s17], $0x1, s3, s17, $0xb8;
	[tilespmem:$0x10C10] =	vst v63  }
0x2a: {  	s26 =	simm.s32 $0x10600  }
0x2b: {  	[tilespmem:s26], [sflag:$0x1] =	stream.indirect.gather [hbm4b:s2+s17], $0x1, s14, s17, $0xb8;
	[tilespmem:$0x10C10] =	vst v63  }
0x2c: {  	s4 =	simm.s32 $0x2400  }
0x2d: {  	[tilespmem:s4], [sflag:$0x1] =	stream.indirect.gather [hbm4b:s5+s17], $0x40, s17, s17, $0xb8;
	[tilespmem:$0x10C10] =	vst v63  }
0x2e: {  	s26 =	simm.s32 $0xA400  }
0x2f: {  	[tilespmem:s26], [sflag:$0x1] =	stream.indirect.gather [hbm4b:s6+s17], $0x40, s23, s17, $0xb8;
	[tilespmem:$0x10C10] =	vst v63  }
0x30: {  	s4 =	simm.s32 $0x10480  }
0x31: {  	[tilespmem:s4], [sflag:$0x1] =	stream.indirect.gather [hbm4b:s1+s17], $0x1, s17, s17, $0xb8;
	[tilespmem:$0x10C10] =	vst v63  }
0x32: {  	s26 =	simm.s32 $0x10680  }
0x33: {  	[tilespmem:s26], [sflag:$0x1] =	stream.indirect.gather [hbm4b:s2+s17], $0x1, s23, s17, $0xb8;
	[tilespmem:$0x10C10] =	vst v63  }
0x34: {  	s4 =	simm.s32 $0x4400  }
0x35: {  	[tilespmem:s4], [sflag:$0x1] =	stream.indirect.gather [hbm4b:s5+s17], $0x40, s28, s17, $0xb8;
	[tilespmem:$0x10C10] =	vst v63  }
0x36: {  	s26 =	simm.s32 $0xC400  }
0x37: {  	[tilespmem:s26], [sflag:$0x1] =	stream.indirect.gather [hbm4b:s6+s17], $0x40, s30, s17, $0xb8;
	[tilespmem:$0x10C10] =	vst v63  }
0x38: {  	s4 =	simm.s32 $0x10500  }
0x39: {  	[tilespmem:s4], [sflag:$0x1] =	stream.indirect.gather [hbm4b:s1+s17], $0x1, s28, s17, $0xb8;
	[tilespmem:$0x10C10] =	vst v63  }
0x3a: {  	s26 =	simm.s32 $0x10700  }
0x3b: {  	[tilespmem:s26], [sflag:$0x1] =	stream.indirect.gather [hbm4b:s2+s17], $0x1, s30, s17, $0xb8;
	[tilespmem:$0x10C10] =	vst v63  }
0x3c: {  	_ = 	snop  }
0x3d: {  	[tilespmem:s16], [sflag:$0x1] =	stream.indirect.gather [hbm4b:s5+s17], $0x40, s15, s17, $0xb8;
	[tilespmem:$0x10C10] =	vst v63  }
0x3e: {  	_ = 	snop  }
0x3f: {  	[tilespmem:s19], [sflag:$0x1] =	stream.indirect.gather [hbm4b:s6+s17], $0x40, s18, s17, $0xb8;
	[tilespmem:$0x10C10] =	vst v63  }
0x40: {  	_ = 	snop  }
0x41: {  	[tilespmem:s20], [sflag:$0x1] =	stream.indirect.gather [hbm4b:s1+s17], $0x1, s15, s17, $0xb8;
	[tilespmem:$0x10C10] =	vst v63  }
0x42: {  	_ = 	snop  }
0x43: {  	[tilespmem:s21], [sflag:$0x1] =	stream.indirect.gather [hbm4b:s2+s17], $0x1, s18, s17, $0xb8;
	[tilespmem:$0x10C10] =	vst v63  }
0x44: {  	_ =	swait.ge [sflag:s22], $0x2000  }
0x45: {  	[sflag:s22] =	ssyncset.done $0x0  }
0x46: {  	[sflag:s22] =	ssyncadd.s32 $0xFFFFE000  }
0x47: {  	_ =	swait.ge [sflag:s22], $0x2000  }
0x48: {  	[sflag:s22] =	ssyncset.done $0x0  }
0x49: {  	[sflag:s22] =	ssyncadd.s32 $0xFFFFE000  }
0x4a: {  	_ =	swait.ge [sflag:s22], $0x80  }
0x4b: {  	[sflag:s22] =	ssyncset.done $0x0  }
0x4c: {  	[sflag:s22] =	ssyncadd.s32 $0xFFFFFF80  }
0x4d: {  	_ =	swait.ge [sflag:s22], $0x80  }
0x4e: {  	[sflag:s22] =	ssyncset.done $0x0  }
0x4f: {  	[sflag:s22] =	ssyncadd.s32 $0xFFFFFF80  }
0x50: {  	_ =	swait.ge [sflag:s22], $0x2000  }
0x51: {  	[sflag:s22] =	ssyncset.done $0x0  }
0x52: {  	[sflag:s22] =	ssyncadd.s32 $0xFFFFE000  }
0x53: {  	_ =	swait.ge [sflag:s22], $0x2000  }
0x54: {  	[sflag:s22] =	ssyncset.done $0x0  }
0x55: {  	[sflag:s22] =	ssyncadd.s32 $0xFFFFE000  }
0x56: {  	_ =	swait.ge [sflag:s22], $0x80  }
0x57: {  	[sflag:s22] =	ssyncset.done $0x0  }
0x58: {  	[sflag:s22] =	ssyncadd.s32 $0xFFFFFF80  }
0x59: {  	_ =	swait.ge [sflag:s22], $0x80  }
0x5a: {  	[sflag:s22] =	ssyncset.done $0x0  }
0x5b: {  	[sflag:s22] =	ssyncadd.s32 $0xFFFFFF80  }
0x5c: {  	_ =	swait.ge [sflag:s22], $0x2000  }
0x5d: {  	[sflag:s22] =	ssyncset.done $0x0  }
0x5e: {  	[sflag:s22] =	ssyncadd.s32 $0xFFFFE000  }
0x5f: {  	_ =	swait.ge [sflag:s22], $0x2000  }
0x60: {  	[sflag:s22] =	ssyncset.done $0x0  }
0x61: {  	[sflag:s22] =	ssyncadd.s32 $0xFFFFE000  }
0x62: {  	_ =	swait.ge [sflag:s22], $0x80  }
0x63: {  	[sflag:s22] =	ssyncset.done $0x0  }
0x64: {  	[sflag:s22] =	ssyncadd.s32 $0xFFFFFF80  }
0x65: {  	_ =	swait.ge [sflag:s22], $0x80  }
0x66: {  	[sflag:s22] =	ssyncset.done $0x0  }
0x67: {  	[sflag:s22] =	ssyncadd.s32 $0xFFFFFF80  }
0x68: {  	_ =	swait.ge [sflag:s22], $0x2000  }
0x69: {  	[sflag:s22] =	ssyncset.done $0x0  }
0x6a: {  	[sflag:s22] =	ssyncadd.s32 $0xFFFFE000  }
0x6b: {  	_ =	swait.ge [sflag:s22], $0x2000  }
0x6c: {  	[sflag:s22] =	ssyncset.done $0x0  }
0x6d: {  	[sflag:s22] =	ssyncadd.s32 $0xFFFFE000  }
0x6e: {  	_ =	swait.ge [sflag:s22], $0x80  }
0x6f: {  	[sflag:s22] =	ssyncset.done $0x0  }
0x70: {  	[sflag:s22] =	ssyncadd.s32 $0xFFFFFF80  }
0x71: {  	_ =	swait.ge [sflag:s22], $0x80  }
0x72: {  	[sflag:s22] =	ssyncset.done $0x0  }
0x73: {  	s29 =	simm.s32 $0x600;
	[sflag:s22] =	ssyncadd.s32 $0xFFFFFF80  }
0x74: {  	s26 =	simm.s32 $0x8600;
	v0 =	vld [tilespmem:s29+$0x1B0]  }
0x75: {  	v61 =	vld [tilespmem:s26+$0x1B0]  }
0x76: {  	v17 =	vld [tilespmem:s29+$0x170]  }
0x77: {  	v62 =	vld [tilespmem:s26+$0x170]  }
0x78: {  	v63 =	vld [tilespmem:s29+$0x1C0]  }
0x79: {  	v4 =	vld [tilespmem:s26+$0x1C0]  }
0x7a: {  	v23 =	vld [tilespmem:s29+$0x130]  }
0x7b: {  	v5 =	vld [tilespmem:s26+$0x130]  }
0x7c: {  	v33 =	vld [tilespmem:s29+$0x1A0]  }
0x7d: {  	v30 =	vld [tilespmem:s26+$0x1A0]  }
0x7e: {  	v13 =	vld [tilespmem:s29+$0xF0]  }
0x7f: {  	v6 =	vld [tilespmem:s26+$0xF0]  }
0x80: {  	v7 =	vld [tilespmem:s29+$0x160]  }
0x81: {  	v8 =	vld [tilespmem:s29+$0xB0]  }
0x82: {  	v9 =	vld [tilespmem:s29+$0x120]  }
0x83: {  	v10 =	vld [tilespmem:s26+$0x120]  }
0x84: {  	v31 =	vld [tilespmem:s29+$0x180]  }
0x85: {  	v32 =	vld [tilespmem:s26+$0x180]  }
0x86: {  	v34 =	vld [tilespmem:s29+$0x190]  }
0x87: {  	v29 =	vld [tilespmem:s26+$0x190]  }
0x88: {  	v56 =	vld [tilespmem:s29+$0xE0]  }
0x89: {  	v35 =	vld [tilespmem:s26+$0xE0]  }
0x8a: {  	v11 =	vld [tilespmem:s29+$0x140]  }
0x8b: {  	v36 =	vld [tilespmem:s26+$0x140]  }
0x8c: {  	v37 =	vld [tilespmem:s29+$0x150]  }
0x8d: {  	v3 =	vld [tilespmem:s29+$0x30]  }
0x8e: {  	v38 =	vld [tilespmem:s29+$0xA0]  }
0x8f: {  	v45 =	vld [tilespmem:s29+$0x100]  }
0x90: {  	v46 =	vld [tilespmem:s26+$0x100]  }
0x91: {  	v47 =	vld [tilespmem:s29+$0x110]  }
0x92: {  	v48 =	vld [tilespmem:s26+$0x110]  }
0x93: {  	v39 =	vld [tilespmem:s29+$0xFFFFFFF0]  }
0x94: {  	v59 =	vld [tilespmem:s29+$0x60]  }
0x95: {  	v57 =	vld [tilespmem:s26+$0x60]  }
0x96: {  	v2 =	vld [tilespmem:s29+$0xC0]  }
0x97: {  	v52 =	vld [tilespmem:s26+$0xC0]  }
0x98: {  	v53 =	vld [tilespmem:s29+$0xD0]  }
0x99: {  	v54 =	vld [tilespmem:s26+$0xD0]  }
0x9a: {  	v12 =	vld [tilespmem:s29+$0xFFFFFFB0]  }
0x9b: {  	v22 =	vld [tilespmem:s26+$0xFFFFFFB0]  }
0x9c: {  	v40 =	vld [tilespmem:s29+$0x20]  }
0x9d: {  	v41 =	vld [tilespmem:s26+$0x20]  }
0x9e: {  	v14 =	vld [tilespmem:s29+$0x80]  }
0x9f: {  	v42 =	vld [tilespmem:s26+$0x80]  }
0xa0: {  	v43 =	vld [tilespmem:s29+$0x90]  }
0xa1: {  	v15 =	vld [tilespmem:s29+$0xFFFFFFE0]  }
0xa2: {  	v16 =	vld [tilespmem:s29+$0xFFFFFF30]  }
0xa3: {  	v44 =	vld [tilespmem:s29+$0xFFFFFFA0]  }
0xa4: {  	v60 =	vld [tilespmem:s26+$0xFFFFFFA0]  }
0xa5: {  	v58 =	vld [tilespmem:s29+$0xFFFFFF60]  }
0xa6: {  	v50 =	vld [tilespmem:s26+$0xFFFFFF60]  }
0xa7: {  	v18 =	vld [tilespmem:s29+$0xFFFFFFC0]  }
0xa8: {  	v19 =	vld [tilespmem:s26+$0xFFFFFFC0]  }
0xa9: {  	v20 =	vld [tilespmem:s29+$0xFFFFFFD0]  }
0xaa: {  	v25 =	vld [tilespmem:s29+$0xFFFFFEB0]  }
0xab: {  	v27 =	vld [tilespmem:s26+$0xFFFFFEB0]  }
0xac: {  	v21 =	vld [tilespmem:s29+$0xFFFFFF20]  }
0xad: {  	v26 =	vld [tilespmem:s29+$0xFFFFFE30]  }
0xae: {  	v28 =	vld [tilespmem:s26+$0xFFFFFE30]  }
0xaf: {  	v51 =	vld [tilespmem:s29+$0xFFFFFE70]  }
0xb0: {  	v55 =	vld [tilespmem:s29+$0xFFFFFEE0]  }
0xb1: {  	v49 =	vld [tilespmem:s26+$0xFFFFFEE0]  }
0xb2: {  	v24 =	vld [tilespmem:s29+$0xFFFFFF40]  }
0xb3: {  	v1 =	vld [tilespmem:s26+$0xFFFFFF40]  }
0xb4: {  	[tilespmem:$0x1FEF0] =	vst v8;
	v8 =	vld [tilespmem:s29+$0x70]  }
0xb5: {  	[tilespmem:$0x1FFA0] =	vst v10;
	v10 =	vld [tilespmem:s26+$0x70]  }
0xb6: {  	[tilespmem:$0x1FED0] =	vst v4;
	v4 =	vld [tilespmem:s26+$0x30]  }
0xb7: {  	[tilespmem:$0x1FF90] =	vst v9;
	v9 =	vld [tilespmem:s29+$0xFFFFFF70]  }
0xb8: {  	[tilespmem:$0x1FF00] =	vst v11;
	v11 =	vld [tilespmem:s26+$0xFFFFFF70]  }
0xb9: {  	[tilespmem:$0x1FF80] =	vst v61;
	v61 =	vld [tilespmem:s29+$0x40]  }
0xba: {  	[tilespmem:$0x1FEB0] =	vst v62;
	v62 =	vld [tilespmem:s26+$0x40]  }
0xbb: {  	[tilespmem:$0x1FEC0] =	vst v63;
	v63 =	vld [tilespmem:s29+$0x50]  }
0xbc: {  	[tilespmem:$0x1FF10] =	vst v36;
	v36 =	vld [tilespmem:s26+$0x50]  }
0xbd: {  	[tilespmem:$0x1FFF0] =	vst v44;
	v44 =	vld [tilespmem:s29+$0x0]  }
0xbe: {  	[tilespmem:$0x1FF60] =	vst v43;
	v43 =	vld [tilespmem:s26+$0x0]  }
0xbf: {  	[tilespmem:$0x1FF50] =	vst v42;
	v42 =	vld [tilespmem:s29+$0x10]  }
0xc0: {  	[tilespmem:$0x1FFE0] =	vst v41;
	v41 =	vld [tilespmem:s26+$0x10]  }
0xc1: {  	[tilespmem:$0x1FFC0] =	vst v6;
	v6 =	vld [tilespmem:s29+$0xFFFFFEF0]  }
0xc2: {  	[tilespmem:$0x1FEE0] =	vst v7;
	v7 =	vld [tilespmem:s26+$0xFFFFFEF0]  }
0xc3: {  	[tilespmem:$0x1FFD0] =	vst v40;
	v40 =	vld [tilespmem:s29+$0xFFFFFF80]  }
0xc4: {  	[tilespmem:$0x1FF40] =	vst v39;
	v39 =	vld [tilespmem:s26+$0xFFFFFF80]  }
0xc5: {  	[tilespmem:$0x1FF30] =	vst v38;
	v38 =	vld [tilespmem:s29+$0xFFFFFF90]  }
0xc6: {  	[tilespmem:$0x1FF20] =	vst v37;
	v37 =	vld [tilespmem:s26+$0xFFFFFF90]  }
0xc7: {  	[tilespmem:$0x1FF70] =	vst v0;
	v0 =	vld [tilespmem:s29+$0xFFFFFF50]  }
0xc8: {  	[tilespmem:$0x1FFB0] =	vst v5;
	v5 =	vld [tilespmem:s26+$0xFFFFFF50]  }
0xc9: {  	v31 =	vmul.f32 v32, v31;
	v32 =	vld [tilespmem:s29+$0xFFFFFEA0]  }
0xca: {  	v29 =	vmul.f32 v29, v34;
	v34 =	vld [tilespmem:s26+$0xFFFFFEA0]  }
0xcb: {  	v33 =	vmul.f32 v30, v33;
	v30 =	vld [tilespmem:$0x1FF70]  }
0xcc: {  	v45 =	vmul.f32 v46, v45;
	v46 =	vmul.f32 v48, v47;
	v48 =	vld [tilespmem:$0x1FF80]  }
0xcd: {  	v2 =	vmul.f32 v52, v2;
	v52 =	vmul.f32 v54, v53;
	v53 =	vld [tilespmem:$0x1FF90]  }
0xce: {  	v54 =	vld [tilespmem:$0x1FFA0]  }
0xcf: {  	v31 =	vadd.f32 v29, v31;
	v29 =	vld [tilespmem:s29+$0xFFFFFF00]  }
0xd0: {  	v36 =	vmul.f32 v36, v63;
	v63 =	vld [tilespmem:$0x1FFC0]  }
0xd1: {  	v43 =	vmul.f32 v43, v44;
	v44 =	vld [tilespmem:s29+$0xFFFFFE80]  }
0xd2: {  	v37 =	vmul.f32 v37, v38;
	v38 =	vld [tilespmem:s29+$0xFFFFFE10];
	v47 =	vmul.f32 v48, v30;
	v48 =	vadd.f32 v33, v31  }
0xd3: {  	v41 =	vmul.f32 v41, v42;
	v42 =	vld [tilespmem:s26+$0xFFFFFE10]  }
0xd4: {  	v47 =	vadd.f32 v47, v48;
	v48 =	vadd.f32 v52, v2;
	v2 =	vmul.f32 v35, v56;
	v56 =	vld [tilespmem:$0x1FFB0]  }
0xd5: {  	v39 =	vmul.f32 v39, v40;
	v40 =	vld [tilespmem:s29+$0xFFFFFE40]  }
0xd6: {  	v30 =	vld [tilespmem:s26+$0xFFFFFF00]  }
0xd7: {  	v45 =	vadd.f32 v46, v45;
	v31 =	vld [tilespmem:s29+$0xFFFFFF10];
	v46 =	vmul.f32 v54, v53  }
0xd8: {  	v33 =	vld [tilespmem:s29+$0xFFFFFE20]  }
0xd9: {  	v53 =	vld [tilespmem:s29+$0xFFFFFEC0];
	v45 =	vadd.f32 v46, v45;
	v46 =	vmul.f32 v56, v23  }
0xda: {  	v52 =	vmul.f32 v57, v59;
	v57 =	vld [tilespmem:$0x1FFD0];
	v48 =	vadd.f32 v2, v48;
	v2 =	vmul.f32 v63, v13  }
0xdb: {  	v56 =	vmul.f32 v10, v8;
	v8 =	vld [tilespmem:$0x1FFF0];
	v45 =	vadd.f32 v46, v45  }
0xdc: {  	v62 =	vmul.f32 v62, v61;
	v59 =	vld [tilespmem:$0x1FFE0];
	(xrf2) =	vadd.scan.msk.f32 $0xffff, v47;
	v48 =	vadd.f32 v2, v48  }
0xdd: {  	v54 =	vld [tilespmem:s26+$0xFFFFFEC0];
	(xrf2) =	vadd.scan.msk.f32 $0xffff, v45  }
0xde: {  	v36 =	vadd.f32 v36, v62;
	v2 =	vld [tilespmem:s26+$0xFFFFFED0];
	(xrf2) =	vadd.scan.msk.f32 $0xffff, v48  }
0xdf: {  	v1 =	vmul.f32 v1, v24;
	v5 =	vmul.f32 v5, v0;
	v46 =	vld [tilespmem:s29+$0xFFFFFED0]  }
0xe0: {  	v24 =	vadd.f32 v37, v39;
	v37 =	vld [tilespmem:s26+$0xFFFFFE00];
	v36 =	vadd.f32 v52, v36;
	v10 =	vmul.f32 v60, v8  }
0xe1: {  	v41 =	vadd.f32 v41, v43;
	v5 =	vadd.f32 v5, v1;
	v47 =	vld [tilespmem:s29+$0xFFFFFE90];
	v61 =	vmul.f32 v59, v57  }
0xe2: {  	v52 =	vld [tilespmem:s26+$0xFFFFFE90];
	v48 =	vadd.f32 v56, v36;
	v56 =	vmul.f32 v22, v12;
	v24 =	vadd.f32 v10, v24  }
0xe3: {  	v63 =	vmul.f32 v4, v3;
	v57 =	vmul.f32 v50, v58;
	v62 =	vadd.f32 v61, v41;
	v45 =	vld [tilespmem:s26+$0xFFFFFE80]  }
0xe4: {  	v39 =	vld [tilespmem:s26+$0xFFFFFE40];
	v58 =	vmul.f32 v54, v53;
	v59 =	vmul.f32 v2, v46;
	v24 =	vadd.f32 v56, v24  }
0xe5: {  	v35 =	vld [tilespmem:s26+$0xFFFFFE20];
	v5 =	vadd.f32 v57, v5;
	v61 =	vmul.f32 v11, v9;
	v60 =	vadd.f32 v63, v62  }
0xe6: {  	v41 =	vld [tilespmem:s29+$0xFFFFFE50];
	v63 =	vmul.f32 v49, v55;
	(xrf2) =	vadd.scan.msk.f32 $0xffff, v48;
	v53, _, _ =	vpop (xrf2);
	v62 =	vadd.f32 v59, v58  }
0xe7: {  	v50 =	vimm.f32 $0.0e+00;
	v43 =	vadd.f32 v61, v5;
	v36 =	vld [tilespmem:s29+$0xFFFFFE00];
	v49 =	vmul.f32 v52, v47;
	(xrf2) =	vadd.scan.msk.f32 $0xffff, v60;
	v52, _, _ =	vpop (xrf2)  }
0xe8: {  	s31 =	simm.s32 $0x0;
	s0 =	simm.s32 $0x40;
	v46 =	vmul.f32 v45, v44;
	v45 =	vmul.f32 v7, v6;
	v44 =	vld [tilespmem:s26+$0xFFFFFE50];
	v48 =	vadd.f32 v63, v62;
	(xrf2) =	vadd.scan.msk.f32 $0xffff, v24;
	v24, _, _ =	vpop (xrf2)  }
.LBB2_2:
0xe9: {  	v47 =	vld [tilespmem:s29+$0xFFFFFE60]  }
0xea: {  	v6 =	vld [tilespmem:s26+$0xFFFFFE60]  }
0xeb: {  	v8 =	vld [tilespmem:s26+$0xFFFFFE70]  }
0xec: {  	v11 =	vld [tilespmem:s26+$0xFFFFFF20]  }
0xed: {  	v54 =	vld [tilespmem:$0x1FF00]  }
0xee: {  	v55 =	vld [tilespmem:$0x1FF10]  }
0xef: {  	v56 =	vld [tilespmem:$0x1FF20]  }
0xf0: {  	v58 =	vld [tilespmem:$0x1FEF0]  }
0xf1: {  	v59 =	vld [tilespmem:$0x1FEE0]  }
0xf2: {  	v60 =	vld [tilespmem:s29+$0x1F0]  }
0xf3: {  	v61 =	vld [tilespmem:$0x1FEB0]  }
0xf4: {  	v62 =	vld [tilespmem:s26+$0x1F0]  }
0xf5: {  	v3 =	vld [tilespmem:$0x1FED0]  }
0xf6: {  	(xrf2) =	vadd.scan.msk.f32 $0xffff, v43;
	v43 =	vld [tilespmem:s26+$0xFFFFFF30]  }
0xf7: {  	v7 =	vadd.f32 v45, v48;
	v48 =	vld [tilespmem:$0x1FF60]  }
0xf8: {  	v46 =	vadd.f32 v49, v46;
	v49 =	vld [tilespmem:$0x1FF40]  }
0xf9: {  	v0 =	vmul.f32 v27, v25;
	v27 =	vld [tilespmem:s26+$0xFFFFFF10]  }
0xfa: {  	v26 =	vmul.f32 v28, v26;
	v28 =	vld [tilespmem:s26+$0xFFFFFFD0]  }
0xfb: {  	s4 =	sshra.s32 s31, $0x2;
	v34 =	vmul.f32 v34, v32;
	v29 =	vmul.f32 v30, v29;
	v30 =	vld [tilespmem:s26+$0xFFFFFFE0]  }
0xfc: {  	v36 =	vmul.f32 v37, v36;
	v9 =	vmul.f32 v39, v40;
	v39 =	vld [tilespmem:s4+$0x10400]  }
0xfd: {  	v5 =	vmul.f32 v42, v38;
	v42 =	vmul.f32 v6, v47;
	v47 =	vld [tilespmem:$0x1FF50]  }
0xfe: {  	v10 =	vmul.f32 v44, v41;
	v23 =	vmul.f32 v8, v51;
	v51 =	vld [tilespmem:$0x1FF30]  }
0xff: {  	v33 =	vmul.f32 v35, v33;
	v34 =	vadd.f32 v34, v46;
	v36 =	vadd.f32 v5, v36;
	v46 =	vld [tilespmem:s26+$0x90]  }
0x100: {  	v41 =	vadd.f32 v10, v9;
	v9 =	vld [tilespmem:s29+$0x1E0]  }
0x101: {  	v33 =	vadd.f32 v33, v36;
	v36 =	vld [tilespmem:s4+$0x10600]  }
0x102: {  	v18 =	vmul.f32 v19, v18;
	v19 =	vmul.f32 v28, v20;
	v20 =	vld [tilespmem:s26+$0xA0]  }
0x103: {  	v27 =	vmul.f32 v27, v31;
	v12 =	vmul.f32 v47, v14;
	v14 =	vld [tilespmem:s26+$0x160]  }
0x104: {  	v44 =	vadd.f32 v26, v33;
	v33 =	vld [tilespmem:$0x1FEC0]  }
0x105: {  	v21 =	vmul.f32 v11, v21;
	v27 =	vadd.f32 v27, v29;
	v29 =	vld [tilespmem:s26+$0xFFFFFFF0]  }
0x106: {  	v15 =	vmul.f32 v30, v15;
	v18 =	vadd.f32 v19, v18;
	v19 =	vld [tilespmem:s26+$0xB0]  }
0x107: {  	v34 =	vadd.f32 v0, v34;
	v13 =	vmul.f32 v46, v48;
	v1 =	vadd.f32 v21, v27;
	v27 =	vld [tilespmem:s26+$0x150]  }
0x108: {  	v32, _, _ =	vpop (xrf2);
	(xrf2) =	vadd.scan.msk.f32 $0xffff, v7;
	v2 =	vadd.f32 v15, v18;
	v18 =	vld [tilespmem:s29+$0x1D0]  }
0x109: {  	v25, _, _ =	vpop (xrf2);
	(xrf2) =	vadd.scan.msk.f32 $0xffff, v34;
	v12 =	vadd.f32 v13, v12;
	v13 =	vld [tilespmem:s26+$0x1D0];
	s29 =	sadd.s32 $0x400, s29  }
0x10a: {  	v31, _, _ =	vpop (xrf2);
	(xrf2) =	vadd.scan.msk.f32 $0xffff, v44;
	v44 =	vld [tilespmem:s29+$0x170]  }
0x10b: {  	v45 =	vadd.f32 v42, v41;
	v47 =	vld [tilespmem:s29+$0x1C0]  }
0x10c: {  	v48 =	vbroadcast v31, $0xF;
	v31 =	vld [tilespmem:s29+$0x1A0]  }
0x10d: {  	v0 =	vmul.f32 v61, v17;
	v23 =	vadd.f32 v23, v45;
	v61 =	vld [tilespmem:s29+$0x160]  }
0x10e: {  	v40 =	vld [tilespmem:s29+$0xFFFFFFF0]  }
0x10f: {  	v26, _, _ =	vpop (xrf2);
	(xrf2) =	vadd.scan.msk.f32 $0xffff, v23;
	v23 =	vld [tilespmem:s29+$0xFFFFFF30]  }
0x110: {  	v10 =	vmul.f32 v20, v51;
	v20 =	vld [tilespmem:s29+$0xFFFFFFD0]  }
0x111: {  	v7 =	vmul.f32 v55, v54;
	v54 =	vbroadcast v25, $0xF;
	v25 =	vld [tilespmem:s29+$0xFFFFFEB0]  }
0x112: {  	v16 =	vmul.f32 v43, v16;
	v46 =	vbroadcast v26, $0xF;
	v26 =	vld [tilespmem:s29+$0xFFFFFE30]  }
0x113: {  	v17 =	vld [tilespmem:s29+$0xFFFFFF40]  }
0x114: {  	v16 =	vadd.f32 v16, v1;
	v1 =	vmul.f32 v3, v33;
	v33 =	vld [tilespmem:s29+$0x130]  }
0x115: {  	v57 =	vadd.f32 v10, v12;
	v12 =	vld [tilespmem:s26+$0x1E0]  }
0x116: {  	v11 =	vmul.f32 v29, v49;
	v29 =	vld [tilespmem:s29+$0x1B0]  }
0x117: {  	v21, _, _ =	vpop (xrf2);
	v6 =	vmul.f32 v19, v58;
	v58 =	vld [tilespmem:s29+$0xF0]  }
0x118: {  	s26 =	sadd.s32 $0x400, s26;
	v42 =	vbroadcast v21, $0xF;
	v21 =	vld [tilespmem:s29+$0xFFFFFF20]  }
0x119: {  	v30 =	vld [tilespmem:s26+$0x1B0]  }
0x11a: {  	v45 =	vld [tilespmem:s26+$0x170]  }
0x11b: {  	v49 =	vld [tilespmem:s26+$0x1C0]  }
0x11c: {  	v55 =	vbroadcast v32, $0xF;
	v32 =	vld [tilespmem:s26+$0x1A0]  }
0x11d: {  	v4 =	vmul.f32 v14, v59;
	v59 =	vbroadcast v52, $0xF;
	v52 =	vld [tilespmem:s26+$0x20]  }
0x11e: {  	v10 =	vld [tilespmem:s26+$0x10]  }
0x11f: {  	v22 =	vld [tilespmem:s26+$0xFFFFFFC0]  }
0x120: {  	v14 =	vld [tilespmem:s26+$0xFFFFFF80]  }
0x121: {  	(xrf2) =	vadd.scan.msk.f32 $0xffff, v16;
	v16 =	vld [tilespmem:s26+$0xFFFFFF90]  }
0x122: {  	v28 =	vld [tilespmem:s26+$0xFFFFFE30]  }
0x123: {  	v19 =	vld [tilespmem:s26+$0xFFFFFF40]  }
0x124: {  	v6 =	vadd.f32 v6, v57;
	v57 =	vbroadcast v24, $0xF;
	v24 =	vld [tilespmem:s26+$0xF0]  }
0x125: {  	v11 =	vadd.f32 v11, v2;
	v2 =	vmul.f32 v62, v60;
	v62 =	vld [tilespmem:s29+$0xB0]  }
0x126: {  	v8 =	vmul.f32 v27, v56;
	v27 =	vld [tilespmem:s26+$0xFFFFFEB0]  }
0x127: {  	v34 =	vmul.f32 v13, v18;
	v18 =	vld [tilespmem:s26+$0xFFFFFEE0]  }
0x128: {  	[tilespmem:$0x1FE80] =	vst v44;
	v44 =	vld [tilespmem:s26+$0x120]  }
0x129: {  	[tilespmem:$0x1FEE0] =	vst v61;
	v61 =	vld [tilespmem:s26+$0xC0]  }
0x12a: {  	[tilespmem:$0x1FF40] =	vst v40;
	v40 =	vld [tilespmem:s29+$0xFFFFFFB0]  }
0x12b: {  	[tilespmem:$0x1FEC0] =	vst v47;
	v47 =	vld [tilespmem:s29+$0xFFFFFF70]  }
0x12c: {  	v15, _, _ =	vpop (xrf2);
	(xrf2) =	vadd.scan.msk.f32 $0xffff, v11;
	v11 =	vld [tilespmem:s4+$0x10800]  }
0x12d: {  	v1 =	vadd.f32 v34, v1;
	v34 =	vld [tilespmem:s29+$0x180]  }
0x12e: {  	[tilespmem:$0x1FE30] =	vst v58;
	v58 =	vld [tilespmem:s29+$0x110]  }
0x12f: {  	v7 =	vadd.f32 v8, v7;
	v35 =	vmul.f32 v12, v9;
	v9 =	vld [tilespmem:s29+$0x10]  }
0x130: {  	v12 =	vbroadcast v15, $0xF;
	v15 =	vld [tilespmem:s29+$0xFFFFFF90]  }
0x131: {  	v5 =	vadd.f32 v4, v7;
	v7 =	vld [tilespmem:s4+$0x10A00]  }
0x132: {  	[tilespmem:$0x1FED0] =	vst v49;
	v49 =	vld [tilespmem:s29+$0x60]  }
0x133: {  	[tilespmem:$0x1FEB0] =	vst v45;
	v45 =	vld [tilespmem:s29+$0x90]  }
0x134: {  	v31 =	vmul.f32 v32, v31;
	v32 =	vld [tilespmem:s29+$0xFFFFFEA0]  }
0x135: {  	v63, _, _ =	vpop (xrf2);
	v1 =	vadd.f32 v35, v1;
	v35 =	vld [tilespmem:s26+$0x130]  }
0x136: {  	v38 =	vbroadcast v63, $0xF;
	v63 =	vld [tilespmem:s29+$0x70]  }
0x137: {  	v37, _, _ =	vpop (xrf2);
	[tilespmem:$0x1FEF0] =	vst v62;
	v62 =	vld [tilespmem:s29+$0xD0]  }
0x138: {  	v4 =	vbroadcast v37, $0xF;
	v37 =	vld [tilespmem:s29+$0x30]  }
0x139: {  	[tilespmem:$0x1FE90] =	vst v47;
	v47 =	vld [tilespmem:s26+$0xFFFFFEF0]  }
0x13a: {  	v8 =	vadd.f32 v2, v1;
	v1 =	vld [tilespmem:s26+$0x40]  }
0x13b: {  	v0 =	vadd.f32 v0, v5;
	v2 =	vld [tilespmem:s29+$0x50]  }
0x13c: {  	(xrf2) =	vadd.scan.msk.f32 $0xffff, v6;
	v41 =	vsel vm0, v38, v4;
	v38 =	vld [tilespmem:s26+$0x30]  }
0x13d: {  	(xrf2) =	vadd.scan.msk.f32 $0xffff, v0;
	v0 =	vld [tilespmem:s29+$0x40]  }
0x13e: {  	v3 =	vsel vm1, v41, v12;
	v41 =	vld [tilespmem:s26+$0x80]  }
0x13f: {  	v43, _, _ =	vpop (xrf2);
	[tilespmem:$0x1FF60] =	vst v45;
	v45 =	vld [tilespmem:s29+$0xFFFFFEF0]  }
0x140: {  	v6 =	vbroadcast v43, $0xF;
	v43 =	vld [tilespmem:s29+$0x120]  }
0x141: {  	[tilespmem:$0x1FE40] =	vst v63;
	v63 =	vld [tilespmem:s26+$0xD0]  }
0x142: {  	v3 =	vsel vm2, v3, v42;
	v42 =	vld [tilespmem:s26+$0xFFFFFFB0]  }
0x143: {  	[tilespmem:$0x1FE60] =	vst v37;
	v37 =	vld [tilespmem:s26+$0x60]  }
0x144: {  	v6 =	vsel vm3, v3, v6;
	v13, _, _ =	vpop (xrf2);
	v3 =	vld [tilespmem:s26+$0x50]  }
0x145: {  	v51 =	vbroadcast v13, $0xF;
	v13 =	vbroadcast v53, $0xF;
	v53 =	vld [tilespmem:s26+$0x180]  }
0x146: {  	v4 =	vsel vm4, v6, v46;
	v46 =	vld [tilespmem:s29+$0xE0]  }
0x147: {  	[tilespmem:$0x1FE70] =	vst v38;
	v38 =	vld [tilespmem:s29+$0x80]  }
0x148: {  	v4 =	vsel vm5, v4, v48;
	v48 =	vld [tilespmem:s26+$0xE0]  }
0x149: {  	[tilespmem:$0x1FF50] =	vst v41;
	v41 =	vld [tilespmem:s29+$0xFFFFFFC0]  }
0x14a: {  	v4 =	vsel vm6, v4, v51;
	v51 =	vld [tilespmem:s29+$0xFFFFFFE0]  }
0x14b: {  	v62 =	vmul.f32 v63, v62;
	v63 =	vmul.f32 v35, v33;
	v33 =	vld [tilespmem:s29+$0xFFFFFE20]  }
0x14c: {  	v12, _, _ =	vpop (xrf2);
	v35 =	vld [tilespmem:s26+$0xFFFFFE20]  }
0x14d: {  	v56 =	vbroadcast v12, $0xF;
	v4 =	vsel vm7, v4, v54;
	v54 =	vld [tilespmem:s29+$0x190]  }
0x14e: {  	(xrf2) =	vadd.scan.msk.f32 $0xffff, v8;
	v4 =	vsel vm8, v4, v55;
	v55 =	vld [tilespmem:s26+$0x190]  }
0x14f: {  	v4 =	vsel vm9, v4, v56;
	v56 =	vld [tilespmem:s29+$0x100]  }
0x150: {  	v6 =	vsel vm10, v4, v57;
	v4 =	vld [tilespmem:s26+$0x70]  }
0x151: {  	v57 =	vld [tilespmem:s26+$0x100]  }
0x152: {  	v12, _, _ =	vpop (xrf2);
	v8 =	vsel vm11, v6, v59;
	v6 =	vld [tilespmem:s29+$0x140]  }
0x153: {  	v60 =	vbroadcast v12, $0xF;
	v59 =	vld [tilespmem:s26+$0x110]  }
0x154: {  	[tilespmem:$0x1FEA0] =	vst v51;
	v51 =	vld [tilespmem:s29+$0xFFFFFE70]  }
0x155: {  	v8 =	vsel vm12, v8, v60;
	v60 =	vld [tilespmem:s29+$0xC0]  }
0x156: {  	v8 =	vsel vm13, v8, v13;
	v13 =	vld [tilespmem:s29+$0xFFFFFF80]  }
0x157: {  	v34 =	vmul.f32 v53, v34;
	v53 =	vmul.f32 v55, v54;
	v54 =	vld [tilespmem:s29+$0xFFFFFF50]  }
0x158: {  	v12, _, _ =	vpop (xrf2);
	v55 =	vld [tilespmem:s26+$0xFFFFFF50]  }
0x159: {  	v8 =	vsel vm14, v8, v12;
	v12 =	vld [tilespmem:s26+$0xFFFFFF60]  }
0x15a: {  	v8 =	vadd.f32 v8, v39;
	v39 =	vld [tilespmem:s29+$0xA0]  }
0x15b: {  	[tilespmem:$0x1FE50] =	vst v4;
	v4 =	vld [tilespmem:s29+$0xFFFFFFA0]  }
0x15c: {  	v53 =	vadd.f32 v53, v34;
	v34 =	vld [tilespmem:s26+$0xFFFFFEA0]  }
0x15d: {  	[tilespmem:$0x1FF00] =	vst v6;
	v6 =	vld [tilespmem:s26+$0xFFFFFFA0]  }
0x15e: {  	v56 =	vmul.f32 v57, v56;
	v57 =	vmul.f32 v59, v58;
	v59 =	vld [tilespmem:$0x1FE30]  }
0x15f: {  	v8 =	vadd.f32 v8, v36;
	v36 =	vld [tilespmem:s29+$0x150]  }
0x160: {  	v31 =	vadd.f32 v31, v53;
	v53 =	vmul.f32 v30, v29;
	v29 =	vld [tilespmem:s29+$0xFFFFFF00]  }
0x161: {  	v30 =	vld [tilespmem:s26+$0xFFFFFF00]  }
0x162: {  	v61 =	vmul.f32 v61, v60;
	v60 =	vmul.f32 v37, v49;
	v49 =	vld [tilespmem:s26+$0xFFFFFE80]  }
0x163: {  	v37 =	vld [tilespmem:s26+$0xFFFFFE00]  }
0x164: {  	v13 =	vmul.f32 v14, v13;
	v14 =	vmov v38;
	v38 =	vld [tilespmem:s29+$0xFFFFFE10]  }
0x165: {  	v8 =	vsub.f32 v8, v11;
	v11 =	vld [tilespmem:s26+$0x140]  }
0x166: {  	v43 =	vmul.f32 v44, v43;
	v56 =	vadd.f32 v57, v56;
	v53 =	vadd.f32 v53, v31;
	v31 =	vld [tilespmem:s29+$0xFFFFFF10]  }
0x167: {  	[tilespmem:$0x1FF30] =	vst v39;
	v39 =	vld [tilespmem:s26+$0xFFFFFF70]  }
0x168: {  	v46 =	vmul.f32 v48, v46;
	v44 =	vadd.f32 v62, v61;
	v43 =	vadd.f32 v43, v56;
	v56 =	vld [tilespmem:s29+$0xFFFFFE90]  }
0x169: {  	(xrf2) =	vadd.scan.msk.f32 $0xffff, v53;
	v53 =	vmul.f32 v3, v2;
	v3 =	vld [tilespmem:s29+$0xFFFFFEC0]  }
0x16a: {  	v58 =	vadd.f32 v46, v44;
	v44 =	vld [tilespmem:s26+$0xFFFFFEC0]  }
0x16b: {  	v2 =	vld [tilespmem:s29+$0xFFFFFED0]  }
0x16c: {  	v46 =	vld [tilespmem:$0x1FE40]  }
0x16d: {  	v5 =	vmul.f32 v8, v7;
	[tilespmem:$0x1FF20] =	vst v36;
	v36 =	vld [tilespmem:s29+$0x20]  }
0x16e: {  	v57 =	vadd.f32 v63, v43;
	v63 =	vld [tilespmem:s26+$0xFFFFFED0]  }
0x16f: {  	v24 =	vmul.f32 v24, v59;
	v7 =	vmul.f32 v5, v8;
	v8 =	vld [tilespmem:s26+$0x0]  }
0x170: {  	v5 =	vld [tilespmem:s29+$0xFFFFFEE0]  }
0x171: {  	v0 =	vmul.f32 v1, v0;
	v62 =	vadd.f32 v24, v58;
	v24 =	vld [tilespmem:$0x1FE50]  }
0x172: {  	v50 =	vadd.f32 v7, v50;
	v7 =	vld [tilespmem:s29+$0x0]  }
0x173: {  	v0 =	vadd.f32 v53, v0;
	v53 =	vmul.f32 v16, v15;
	v15 =	vld [tilespmem:$0x1FE70]  }
0x174: {  	v58 =	vmul.f32 v19, v17;
	v17 =	vld [tilespmem:$0x1FE80]  }
0x175: {  	[tilespmem:$0x1FF10] =	vst v11;
	v11 =	vld [tilespmem:s29+$0xFFFFFF60];
	(xrf2) =	vadd.scan.msk.f32 $0xffff, v57  }
0x176: {  	v45 =	vmul.f32 v47, v45;
	v61 =	vmul.f32 v10, v9;
	v57 =	vld [tilespmem:$0x1FE60];
	(xrf2) =	vadd.scan.msk.f32 $0xffff, v62  }
0x177: {  	v0 =	vadd.f32 v60, v0;
	v60 =	vmul.f32 v42, v40;
	v42 =	vld [tilespmem:s26+$0xFFFFFE10];
	v7 =	vmul.f32 v8, v7  }
0x178: {  	v4 =	vmul.f32 v6, v4;
	v40 =	vld [tilespmem:s29+$0xFFFFFE40];
	v1 =	vmul.f32 v24, v46  }
0x179: {  	v13 =	vadd.f32 v53, v13;
	v62 =	vld [tilespmem:$0x1FE90];
	v48 =	vmul.f32 v52, v36;
	v7 =	vadd.f32 v61, v7  }
0x17a: {  	v59 =	vmul.f32 v55, v54;
	v3 =	vmul.f32 v44, v3;
	v24 =	vld [tilespmem:s29+$0xFFFFFE80];
	v0 =	vadd.f32 v1, v0  }
0x17b: {  	p0 =	sne.s32 s0, $0x7C0;
	v4 =	vadd.f32 v4, v13;
	v8 =	vmul.f32 v15, v57;
	v15 =	vld [tilespmem:s26+$0xFFFFFE90];
	v7 =	vadd.f32 v48, v7  }
.Ltmp0:
0x17c: {  	v44 =	vld [tilespmem:s26+$0xFFFFFE50];
	v2 =	vmul.f32 v63, v2;
	(xrf2) =	vadd.scan.msk.f32 $0xffff, v0;
	v0 =	vadd.f32 v59, v58;
	v61 =	vmul.f32 v12, v11;
	(pc) =	sbr.rel @p0 .LBB2_2-.Ltmp0, $4  }
0x17d: {  	v36 =	vld [tilespmem:s29+$0xFFFFFE00];
	v63 =	vmul.f32 v18, v5;
	v18 =	vmovc v41;
	v4 =	vadd.f32 v60, v4;
	v7 =	vadd.f32 v8, v7  }
0x17e: {  	v41 =	vld [tilespmem:s29+$0xFFFFFE50];
	v2 =	vadd.f32 v2, v3;
	v6 =	vmul.f32 v39, v62;
	v53, _, _ =	vpop (xrf2);
	v0 =	vadd.f32 v61, v0  }
0x17f: {  	v16 =	vmov v23;
	v19 =	vmov v22;
	v39 =	vld [tilespmem:s26+$0xFFFFFE40];
	v46 =	vmul.f32 v49, v24;
	v52, _, _ =	vpop (xrf2);
	(xrf2) =	vadd.scan.msk.f32 $0xffff, v7  }
0x180: {  	s31 =	smov.u32 s0;
	s0 =	sadd.s32 $0x40, s0;
	v48 =	vadd.f32 v63, v2;
	v49 =	vmul.f32 v15, v56;
	v15 =	vld [tilespmem:$0x1FEA0];
	v24, _, _ =	vpop (xrf2);
	v43 =	vadd.f32 v6, v0;
	(xrf2) =	vadd.scan.msk.f32 $0xffff, v4  }
0x181: {  	v0 =	vld [tilespmem:s29+$0xFFFFFE60]  }
0x182: {  	v1 =	vld [tilespmem:s26+$0xFFFFFE60]  }
0x183: {  	v4 =	vld [tilespmem:s26+$0xFFFFFF10]  }
0x184: {  	v8 =	vld [tilespmem:s26+$0xFFFFFE70]  }
0x185: {  	v10 =	vld [tilespmem:s26+$0xFFFFFF20]  }
0x186: {  	v12 =	vld [tilespmem:s26+$0xFFFFFFD0]  }
0x187: {  	v6 =	vmul.f32 v42, v38;
	v38 =	vld [tilespmem:s26+$0xFFFFFF30]  }
0x188: {  	v42 =	vld [tilespmem:s26+$0x90]  }
0x189: {  	v47 =	vld [tilespmem:s26+$0xA0]  }
0x18a: {  	v55 =	vld [tilespmem:$0x1FF50]  }
0x18b: {  	v56 =	vld [tilespmem:$0x1FF60]  }
0x18c: {  	v57 =	vld [tilespmem:s26+$0x160]  }
0x18d: {  	v58 =	vld [tilespmem:$0x1FF40]  }
0x18e: {  	v59 =	vld [tilespmem:s29+$0x1D0]  }
0x18f: {  	v3 =	vmul.f32 v34, v32;
	v11 =	vmul.f32 v27, v25;
	v61 =	vld [tilespmem:$0x1FF30]  }
0x190: {  	v13 =	vmul.f32 v28, v26;
	v62 =	vld [tilespmem:s26+$0x1D0];
	v2 =	vadd.f32 v49, v46;
	v5 =	vmul.f32 v37, v36  }
0x191: {  	v22 =	vld [tilespmem:$0x1FEF0];
	v7 =	vadd.f32 v45, v48;
	v9 =	vmul.f32 v44, v41;
	v36 =	vmul.f32 v39, v40  }
0x192: {  	v26 =	vld [tilespmem:$0x1FEE0];
	v37 =	vmul.f32 v35, v33;
	v45 =	vmul.f32 v19, v18;
	v5 =	vadd.f32 v6, v5  }
0x193: {  	v48 =	vld [tilespmem:s26+$0x150];
	v2 =	vadd.f32 v3, v2;
	v3 =	vadd.f32 v9, v36;
	v0 =	vmul.f32 v1, v0  }
0x194: {  	v39 =	vmul.f32 v30, v29;
	v40 =	vld [tilespmem:s26+$0xFFFFFFE0];
	v5 =	vadd.f32 v37, v5;
	v4 =	vmul.f32 v4, v31  }
0x195: {  	(xrf2) =	vadd.scan.msk.f32 $0xffff, v43;
	v18 =	vld [tilespmem:$0x1FF10];
	v2 =	vadd.f32 v11, v2;
	v41 =	vmul.f32 v8, v51;
	v0 =	vadd.f32 v0, v3  }
0x196: {  	v44 =	vld [tilespmem:s26+$0xFFFFFFF0];
	(xrf2) =	vadd.scan.msk.f32 $0xffff, v7;
	v43 =	vmul.f32 v10, v21;
	v5 =	vadd.f32 v13, v5;
	v4 =	vadd.f32 v4, v39  }
0x197: {  	v19 =	vld [tilespmem:$0x1FF20];
	v46 =	vmul.f32 v12, v20;
	(xrf2) =	vadd.scan.msk.f32 $0xffff, v2;
	v0 =	vadd.f32 v41, v0  }
0x198: {  	v1 =	vmul.f32 v38, v16;
	v16 =	vld [tilespmem:$0x1FF00];
	(xrf2) =	vadd.scan.msk.f32 $0xffff, v5;
	v4 =	vadd.f32 v43, v4  }
0x199: {  	v51 =	vld [tilespmem:s26+$0xB0];
	v2 =	vadd.f32 v46, v45;
	v49 =	vmul.f32 v40, v15;
	(xrf2) =	vadd.scan.msk.f32 $0xffff, v0  }
0x19a: {  	v32 =	vld [tilespmem:$0x1FEC0];
	v54 =	vadd.f32 v1, v4;
	v1 =	vmul.f32 v55, v14;
	v4 =	vmul.f32 v42, v56  }
0x19b: {  	v33 =	vld [tilespmem:$0x1FED0];
	v3 =	vmul.f32 v44, v58;
	v2 =	vadd.f32 v49, v2  }
0x19c: {  	v29 =	vld [tilespmem:$0x1FEB0];
	v60, _, _ =	vpop (xrf2);
	v1 =	vadd.f32 v4, v1;
	v4 =	vmul.f32 v47, v61;
	(xrf2) =	vadd.scan.msk.f32 $0xffff, v54  }
0x19d: {  	v23 =	vld [tilespmem:s26+$0x1E0];
	v63, _, _ =	vpop (xrf2);
	v5 =	vmul.f32 v48, v19;
	v2 =	vadd.f32 v3, v2;
	v3 =	vmul.f32 v18, v16  }
0x19e: {  	v20 =	vld [tilespmem:s29+$0x1E0];
	v21, _, _ =	vpop (xrf2);
	v1 =	vadd.f32 v4, v1;
	v4 =	vmul.f32 v51, v22  }
0x19f: {  	v27 =	vld [tilespmem:s29+$0x1F0];
	v25, _, _ =	vpop (xrf2);
	v3 =	vadd.f32 v5, v3;
	v5 =	vmul.f32 v57, v26;
	(xrf2) =	vadd.scan.msk.f32 $0xffff, v2  }
0x1a0: {  	v30 =	vld [tilespmem:s26+$0x1F0];
	v7 =	vmul.f32 v62, v59;
	v28, _, _ =	vpop (xrf2);
	v1 =	vadd.f32 v4, v1  }
0x1a1: {  	v3 =	vadd.f32 v5, v3;
	v5 =	vmul.f32 v33, v32;
	v4 =	vmul.f32 v29, v17;
	v31, _, _ =	vpop (xrf2)  }
0x1a2: {  	v34, _, _ =	vpop (xrf2);
	(xrf2) =	vadd.scan.msk.f32 $0xffff, v1  }
0x1a3: {  	v37 =	vmul.f32 v23, v20;
	v36 =	vadd.f32 v7, v5;
	v35 =	vadd.f32 v4, v3;
	v38, _, _ =	vpop (xrf2)  }
0x1a4: {  	v39 =	vbroadcast v34, $0xF;
	v5 =	vbroadcast v38, $0xF  }
0x1a5: {  	v41 =	vmul.f32 v30, v27;
	v40 =	vbroadcast v31, $0xF;
	v3 =	vadd.f32 v37, v36;
	(xrf2) =	vadd.scan.msk.f32 $0xffff, v35  }
0x1a6: {  	v2 =	vbroadcast v28, $0xF;
	v43, _, _ =	vpop (xrf2);
	v42 =	vsel vm0, v39, v5  }
0x1a7: {  	v3 =	vadd.f32 v41, v3;
	v5 =	vbroadcast v43, $0xF;
	v1 =	vsel vm1, v42, v40  }
0x1a8: {  	v44 =	vbroadcast v25, $0xF;
	v1 =	vsel vm2, v1, v2  }
0x1a9: {  	v45 =	vbroadcast v21, $0xF;
	v46, _, _ =	vpop (xrf2);
	(xrf2) =	vadd.scan.msk.f32 $0xffff, v3;
	v1 =	vsel vm3, v1, v5  }
0x1aa: {  	v47 =	vbroadcast v46, $0xF;
	v1 =	vsel vm4, v1, v44  }
0x1ab: {  	v0 =	vbroadcast v63, $0xF;
	v1 =	vsel vm5, v1, v45  }
0x1ac: {  	v48 =	vbroadcast v60, $0xF;
	v49, _, _ =	vpop (xrf2);
	v1 =	vsel vm6, v1, v47  }
0x1ad: {  	v51 =	vbroadcast v49, $0xF;
	v0 =	vsel vm7, v1, v0  }
0x1ae: {  	v54 =	vbroadcast v24, $0xF;
	v0 =	vsel vm8, v0, v48  }
0x1af: {  	s0 =	sshra.s32 s31, $0x2;
	v55 =	vbroadcast v52, $0xF;
	v56, _, _ =	vpop (xrf2);
	v0 =	vsel vm9, v0, v51  }
0x1b0: {  	v57 =	vld [tilespmem:s0+$0x10400];
	v58 =	vbroadcast v56, $0xF;
	v0 =	vsel vm10, v0, v54  }
0x1b1: {  	v59 =	vbroadcast v53, $0xF;
	v0 =	vsel vm11, v0, v55  }
0x1b2: {  	v60 =	vld [tilespmem:s0+$0x10600];
	v0 =	vsel vm12, v0, v58  }
0x1b3: {  	v61, _, _ =	vpop (xrf2);
	v0 =	vsel vm13, v0, v59  }
0x1b4: {  	v62 =	vld [tilespmem:s0+$0x10800];
	v0 =	vsel vm14, v0, v61  }
0x1b5: {  	v0 =	vadd.f32 v0, v57  }
0x1b6: {  	v63 =	vld [tilespmem:s0+$0x10A00]  }
0x1b7: {  	v0 =	vadd.f32 v0, v60;
	_ =	sdelay $0x1  }
0x1b8: {  	v0 =	vsub.f32 v0, v62;
	_ =	sdelay $0x1  }
0x1b9: {  	v1 =	vmul.f32 v0, v63;
	_ =	sdelay $0x1  }
0x1ba: {  	v0 =	vmul.f32 v1, v0;
	_ =	sdelay $0x1  }
0x1bb: {  	s25 =	sadd.s32 $0x1, s25;
	v0 =	vadd.f32 v0, v50  }
0x1bc: {  	p0 =	sne.s32 s25, s12  }
.Ltmp1:
0x1bd: {  	[tilespmem:$0x10C00] =	vst v0;
	(pc) =	sbr.rel @p0 .LBB2_1-.Ltmp1, $4  }
0x1be: {  	[hbm4b:s11+s3] =	stream.linear.scatter [tilespmem:s24], [sflag:$0x2], $0x10, $0x38;
	[tilespmem:$0x10C10] =	vst v63  }
0x1bf: {  	_ =	swait.ge [sflag:s13], $0x10  }
0x1c0: {  	[sflag:s13] =	ssyncset.done $0x0  }
0x1c1: {  	[sflag:s13] =	ssyncadd.s32 $0xFFFFFFF0  }
0x1c2: {  	_ =	sfence.sel $0x180000  }
0x1c3: {  	[bflag:$0x0] =	sbarrier.arrive $0xFFFF  }
0x1c4: {  	_ =	strace $0x90000047  }
0x1c5: {  	s0 =	stileid.u32;
	[bflag:$0x2] =	sbarrier.arrive $0xFFFF  }
0x1c6: {  	p0 =	sne.s32 s0, $0x0;
	s0 =	rddreg [dreg:$0x8]  }
0x1c7: {  	s0 =	sadd.s32 @!p0 $0x100000, s0  }
0x1c8: {  	[sflag:s0] =	ssyncadd.tile.s32 @!p0 $0x1;
	_ =	shalt  }
.Lfunc_end2:
_tile_overlayer_lowered:
.L_overlay_start_2:
0x1c9: {  	(tag) =	ssettag $0x2  }
0x1ca: {  	s0 =	rddreg [dreg:$0x0];
	s2 =	stileid.u32  }
0x1cb: {  	s1 =	rddreg [dreg:$0x1];
	p0 =	sne.s32 s2, $0x0  }
0x1cc: {  	s3 =	rddreg [dreg:$0x2];
	[bflag:$0x3] =	sbarrier.arrive $0xFFFF;
	s2 =	simm.s32 @!p0 $0x1C02  }
0x1cd: {  	[timem:s3], [sflag:s2] =	dma.local @!p0 [hbm:s0], s1  }
0x1ce: {  	s0 =	simm.s32 @!p0 $0x2  }
0x1cf: {  	_ =	swait.ge @!p0 [sflag:s0], s1  }
0x1d0: {  	s1 =	ssub.s32 @!p0 $0x0, s1;
	[sflag:s0] =	ssyncset.done @!p0 $0x0  }
0x1d1: {  	[sflag:s0] =	ssyncadd.s32 @!p0 s1  }
0x1d2: {  	[bflag:$0x3] =	sbarrier.arrive $0xFFFF  }
0x1d3: {  	_ =	shalt  }

</sc_bundles>
